<compile_context>
chip_gen: v7x
topology: tpu7x:2x2x1
jax: 0.10.2.dev20260603
libtpu: 0.0.44.dev20260713+nightly
codegen_flags: <defaults>
</compile_context>

<pallas_src>
import functools

import jax
import jax.numpy as jnp
from jax import lax
from jax.experimental import pallas as pl
from jax.experimental.pallas import tpu as pltpu
from jax.experimental.pallas import tpu_sc as plsc

N = 10000
E = 320000
D = 128
NC, NS = 2, 16
NW = NC * NS
K = 128
NCHUNK = -(-E // (NW * K))
EPW = NCHUNK * K
EPAD = EPW * NW
NP = 10240
RPT = NP // NS
BM = 1024


def _sc_mesh():
    return plsc.VectorSubcoreMesh(core_axis_name="c", subcore_axis_name="s")



@functools.partial(
    pl.kernel,
    out_type=jax.ShapeDtypeStruct((NC, NP, 16), jnp.float32),
    mesh=_sc_mesh(),
    scratch_types=[
        pltpu.VMEM_SHARED((NP, 16), jnp.float32),
        pltpu.VMEM((NCHUNK, K), jnp.int32),
        pltpu.VMEM((K, 16), jnp.float32),
        pltpu.VMEM((RPT, 16), jnp.float32),
    ],
)
def _deg_kernel(to_hbm, degp_hbm, acc, to_v, ones_v, zero_v):
    cid = lax.axis_index("c")
    sid = lax.axis_index("s")
    wid = sid * NC + cid

    def fill_zero(i, carry):
        zero_v[i] = jnp.zeros((16,), jnp.float32)
        return carry

    lax.fori_loop(0, RPT, fill_zero, 0)

    def fill_ones(i, carry):
        ones_v[i] = jnp.ones((16,), jnp.float32)
        return carry

    lax.fori_loop(0, K, fill_ones, 0)

    pltpu.sync_copy(zero_v, acc.at[pl.ds(sid * RPT, RPT)])
    plsc.subcore_barrier()

    pltpu.sync_copy(to_hbm.at[wid], to_v)

    def body(j, carry):
        pltpu.sync_copy(ones_v, acc.at[to_v.at[j]], add=True)
        return carry

    lax.fori_loop(0, NCHUNK, body, 0)
    plsc.subcore_barrier()

    sl = pl.ds(sid * RPT, RPT)
    pltpu.sync_copy(acc.at[sl], degp_hbm.at[cid, sl])


@functools.partial(
    pl.kernel,
    out_type=jax.ShapeDtypeStruct((NC, NP, D), jnp.float32),
    mesh=_sc_mesh(),
    scratch_types=[
        pltpu.VMEM_SHARED((NP, D), jnp.float32),
        pltpu.VMEM((NCHUNK, K), jnp.int32),
        pltpu.VMEM((NCHUNK, K), jnp.int32),
        pltpu.VMEM((K, D), jnp.float32),
        pltpu.SemaphoreType.DMA,
    ],
)
def _edge_kernel(g_hbm, from_hbm, to_hbm, parts_hbm, acc, from_v, to_v,
                 rows, sem):
    cid = lax.axis_index("c")
    sid = lax.axis_index("s")
    wid = sid * NC + cid

    def fill_zero(t, carry):
        rows[t // 8, pl.ds((t % 8) * 16, 16)] = jnp.zeros((16,), jnp.float32)
        return carry

    lax.fori_loop(0, K * 8, fill_zero, 0)
    for r in range(RPT // K):
        pltpu.sync_copy(rows, acc.at[pl.ds(sid * RPT + r * K, K)])
    plsc.subcore_barrier()

    pltpu.sync_copy(from_hbm.at[wid], from_v)
    pltpu.sync_copy(to_hbm.at[wid], to_v)

    def body(j, carry):
        pltpu.async_copy(g_hbm.at[from_v.at[j]], rows, sem).wait()
        pltpu.sync_copy(rows, acc.at[to_v.at[j]], add=True)
        return carry

    lax.fori_loop(0, NCHUNK, body, 0)
    plsc.subcore_barrier()

    sl = pl.ds(sid * RPT, RPT)
    pltpu.sync_copy(acc.at[sl], parts_hbm.at[cid, sl])



def _dinv(d0_ref, d1_ref):
    deg = d0_ref[...][:, 0:1] + d1_ref[...][:, 0:1] + 1.0
    return lax.rsqrt(deg)


def _mm_scale_body(x_ref, wt_ref, b_ref, d0_ref, d1_ref, g_ref):
    h = jnp.dot(x_ref[...], wt_ref[...], preferred_element_type=jnp.float32)
    g_ref[...] = (h + b_ref[...]) * _dinv(d0_ref, d1_ref)


def _combine_mm_body(p0_ref, p1_ref, g0_ref, d0_ref, d1_ref, wt_ref, b_ref,
                     g1_ref):
    dinv = _dinv(d0_ref, d1_ref)
    s = p0_ref[...] + p1_ref[...] + g0_ref[...]
    o = jnp.maximum(s * dinv, 0.0)
    h = jnp.dot(o, wt_ref[...], preferred_element_type=jnp.float32)
    g1_ref[...] = (h + b_ref[...]) * dinv


def _final_body(p0_ref, p1_ref, g1_ref, d0_ref, d1_ref, out_ref):
    s = p0_ref[...] + p1_ref[...] + g1_ref[...]
    out_ref[...] = s * _dinv(d0_ref, d1_ref)


def _row_spec():
    return pl.BlockSpec((BM, D), lambda i: (i, 0))


def _deg_spec():
    return pl.BlockSpec((BM, 16), lambda i: (i, 0))


def _full_spec(shape):
    return pl.BlockSpec(shape, lambda i: (0,) * len(shape))


def _mm_scale(x_p, wt, br, d0, d1):
    return pl.pallas_call(
        _mm_scale_body,
        grid=(NP // BM,),
        in_specs=[_row_spec(), _full_spec((D, D)), _full_spec((1, D)),
                  _deg_spec(), _deg_spec()],
        out_specs=_row_spec(),
        out_shape=jax.ShapeDtypeStruct((NP, D), jnp.float32),
    )(x_p, wt, br, d0, d1)


def _combine_mm(p0, p1, g0, d0, d1, wt, br):
    return pl.pallas_call(
        _combine_mm_body,
        grid=(NP // BM,),
        in_specs=[_row_spec(), _row_spec(), _row_spec(), _deg_spec(),
                  _deg_spec(), _full_spec((D, D)), _full_spec((1, D))],
        out_specs=_row_spec(),
        out_shape=jax.ShapeDtypeStruct((NP, D), jnp.float32),
    )(p0, p1, g0, d0, d1, wt, br)


def _final(p0, p1, g1, d0, d1):
    return pl.pallas_call(
        _final_body,
        grid=(NP // BM,),
        in_specs=[_row_spec(), _row_spec(), _row_spec(), _deg_spec(),
                  _deg_spec()],
        out_specs=_row_spec(),
        out_shape=jax.ShapeDtypeStruct((NP, D), jnp.float32),
    )(p0, p1, g1, d0, d1)



def kernel(x, edge_index, W0, b0, W1, b1):
    from_p = jnp.concatenate(
        [edge_index[0], jnp.zeros((EPAD - E,), jnp.int32)])
    to_p = jnp.concatenate(
        [edge_index[1], jnp.full((EPAD - E,), N, jnp.int32)])
    from_h = from_p.reshape(NW, NCHUNK, K)
    to_h = to_p.reshape(NW, NCHUNK, K)
    x_p = jnp.pad(x, ((0, NP - N), (0, 0)))
    wt0 = W0.T
    wt1 = W1.T
    b0r = b0.reshape(1, D)
    b1r = b1.reshape(1, D)

    ones128 = jnp.ones((NP, D), jnp.float32)
    degw = _edge_kernel(ones128, from_h, to_h)
    d0, d1 = degw[0, :, :16], degw[1, :, :16]

    g0 = _mm_scale(x_p, wt0, b0r, d0, d1)
    parts0 = _edge_kernel(g0, from_h, to_h)
    g1 = _combine_mm(parts0[0], parts0[1], g0, d0, d1, wt1, b1r)
    parts1 = _edge_kernel(g1, from_h, to_h)
    out = _final(parts1[0], parts1[1], g1, d0, d1)
    return out[:N]

# --- scband reference (transcript-rebuilt; emitter-appended) ---
"""Pipeline reference for scband-gnnbase-78847009620727 (READ-ONLY COPY).

The authoritative reference and input builder live on the scoring server;
editing this copy changes nothing except your own understanding.
"""

import jax, jax.numpy as jnp
import numpy as np


def gcn_layer(x, edge_index, W, b):
    # Faithful translation of GCNConvLayer.forward (dropout=0.0 -> identity).
    num_nodes = x.shape[0]
    from_idx = edge_index[0]
    to_idx = edge_index[1]
    self_loop = jnp.arange(num_nodes, dtype=edge_index.dtype)
    from_l = jnp.concatenate([from_idx, self_loop])
    to_l = jnp.concatenate([to_idx, self_loop])
    # degree: scatter_add ones at to_idx, plus ones for self-loops
    deg = jnp.zeros((num_nodes,), dtype=jnp.float32).at[to_idx].add(1.0) + 1.0
    deg_inv_sqrt = deg ** -0.5
    deg_inv_sqrt = jnp.where(jnp.isinf(deg_inv_sqrt), 0.0, deg_inv_sqrt)
    h = x @ W.T + b  # nn.Linear
    messages = h[from_l] * deg_inv_sqrt[from_l][:, None] * deg_inv_sqrt[to_l][:, None]
    out = jnp.zeros_like(h).at[to_l].add(messages)
    return out


def setup_inputs(seed: int = 0) -> dict:
    key = jax.random.key(seed)
    ks = jax.random.split(key, 6)
    N, E = 10000, 320000
    D_in, D_h, D_out = 128, 128, 128
    x = jax.random.normal(ks[0], (N, D_in), dtype=jnp.float32)
    edge_index = jax.random.randint(ks[1], (2, E), 0, N, dtype=jnp.int32)
    # Xavier-uniform-like scale for Linear weights (torch layout: [out, in])
    W0 = jax.random.normal(ks[2], (D_h, D_in), dtype=jnp.float32) * (1.0 / np.sqrt(D_in))
    b0 = jnp.zeros((D_h,), dtype=jnp.float32)
    W1 = jax.random.normal(ks[3], (D_out, D_h), dtype=jnp.float32) * (1.0 / np.sqrt(D_h))
    b1 = jnp.zeros((D_out,), dtype=jnp.float32)
    return {"x": x, "edge_index": edge_index, "W0": W0, "b0": b0, "W1": W1, "b1": b1}


def reference(x, edge_index, W0, b0, W1, b1):
    # GNNBase with gnn_type='gcn', num_layers=2: layer0 -> ReLU -> layer1 (eval mode, dropout identity)
    h = gcn_layer(x, edge_index, W0, b0)
    h = jax.nn.relu(h)
    out = gcn_layer(h, edge_index, W1, b1)
    return out

if __name__ == "__main__":
    import jax
    _d = setup_inputs()
    print(jax.jit(kernel)(*tuple(_d.values())))

</pallas_src>

<mosaic_0001>
#map = affine_map<(d0, d1) -> (0, 0)>
#map1 = affine_map<(d0, d1) -> (0, 0, 0)>
module attributes {stable_mosaic.version = 14 : i64} {
  func.func @_edge_kernel(%arg0: i32, %arg1: i32, %arg2: memref<10240x128xf32, #tpu.memory_space<hbm>>, %arg3: memref<32x79x128xi32, #tpu.memory_space<hbm>>, %arg4: memref<32x79x128xi32, #tpu.memory_space<hbm>>, %arg5: memref<2x10240x128xf32, #tpu.memory_space<hbm>>, %arg6: memref<10240x128xf32, #tpu.memory_space<vmem_shared>>, %arg7: memref<79x128xi32, #tpu.memory_space<vmem>>, %arg8: memref<79x128xi32, #tpu.memory_space<vmem>>, %arg9: memref<128x128xf32, #tpu.memory_space<vmem>>, %arg10: memref<!tpu.dma_semaphore, #tpu.memory_space<semaphore_mem>>) attributes {dimension_semantics = [#tpu.dimension_semantics<core_parallel>, #tpu.dimension_semantics<subcore_parallel>], iteration_bounds = array<i64: 2, 16>, scalar_prefetch = 0 : i64, scratch_operands = 5 : i64, tpu.core_type = #tpu.core_type<sc_vector_subcore>, window_params = [{transform_indices = #map}, {transform_indices = #map1}, {transform_indices = #map1}, {transform_indices = #map1}]} {
    %mul3A = arith.constant 2 : i32
    %mul3A_0 = arith.muli %arg1, %mul3A : i32
    %add3A = arith.addi %mul3A_0, %arg0 : i32
    %scan3A = arith.constant 0 : i32
    %scan3A_1 = arith.constant 0 : i32
    %scan3A_2 = arith.constant 1024 : i32
    %scan3A_3 = arith.addi %scan3A_1, %scan3A_2 : i32
    %scan3A_4 = arith.constant 1 : i32
    scf.for %scan3A_35 = %scan3A_1 to %scan3A_3 step %scan3A_4  : i32 {
      %broadcast_in_dim3A = arith.constant 0.000000e+00 : f32
      %broadcast_in_dim3A_36 = vector.broadcast %broadcast_in_dim3A : f32 to vector<16xf32>
      %jit3A = arith.constant 8 : i32
      %div3A = arith.divsi %scan3A_35, %jit3A : i32
      %sign3A = arith.constant 0 : i32
      %sign3A_37 = arith.cmpi sgt, %scan3A_35, %sign3A : i32
      %sign3A_38 = arith.extui %sign3A_37 : i1 to i32
      %sign3A_39 = arith.constant 0 : i32
      %sign3A_40 = arith.cmpi slt, %scan3A_35, %sign3A_39 : i32
      %sign3A_41 = arith.extui %sign3A_40 : i1 to i32
      %sign3A_42 = arith.subi %sign3A_38, %sign3A_41 : i32
      %sign3A_43 = arith.constant 0 : i32
      %sign3A_44 = arith.cmpi sgt, %jit3A, %sign3A_43 : i32
      %sign3A_45 = arith.extui %sign3A_44 : i1 to i32
      %sign3A_46 = arith.constant 0 : i32
      %sign3A_47 = arith.cmpi slt, %jit3A, %sign3A_46 : i32
      %sign3A_48 = arith.extui %sign3A_47 : i1 to i32
      %sign3A_49 = arith.subi %sign3A_45, %sign3A_48 : i32
      %ne3A = arith.cmpi ne, %sign3A_42, %sign3A_49 : i32
      %rem3A = arith.remsi %scan3A_35, %jit3A : i32
      %ne3A_50 = arith.constant 0 : i32
      %ne3A_51 = arith.cmpi ne, %rem3A, %ne3A_50 : i32
      %and3A = arith.andi %ne3A, %ne3A_51 : i1
      %sub3A = arith.constant 1 : i32
      %sub3A_52 = arith.subi %div3A, %sub3A : i32
      %select_n3A = arith.select %and3A, %sub3A_52, %div3A : i32
      %jit3A_53 = arith.constant 8 : i32
      %eq3A = arith.constant 0 : i32
      %eq3A_54 = arith.cmpi eq, %jit3A_53, %eq3A : i32
      %jit3A_55 = arith.constant 1 : i32
      %select_n3A_56 = arith.select %eq3A_54, %jit3A_55, %jit3A_53 : i32
      %rem3A_57 = arith.remsi %scan3A_35, %select_n3A_56 : i32
      %ne3A_58 = arith.constant 0 : i32
      %ne3A_59 = arith.cmpi ne, %rem3A_57, %ne3A_58 : i32
      %lt3A = arith.constant 0 : i32
      %lt3A_60 = arith.cmpi slt, %rem3A_57, %lt3A : i32
      %lt3A_61 = arith.constant 0 : i32
      %lt3A_62 = arith.cmpi slt, %select_n3A_56, %lt3A_61 : i32
      %ne3A_63 = arith.xori %lt3A_60, %lt3A_62 : i1
      %and3A_64 = arith.andi %ne3A_63, %ne3A_59 : i1
      %add3A_65 = arith.addi %rem3A_57, %select_n3A_56 : i32
      %select_n3A_66 = arith.select %and3A_64, %add3A_65, %rem3A_57 : i32
      %mul3A_67 = arith.constant 16 : i32
      %mul3A_68 = arith.muli %select_n3A_66, %mul3A_67 : i32
      %swap3A = arith.index_cast %select_n3A : i32 to index
      %swap3A_69 = arith.index_cast %mul3A_68 : i32 to index
      %swap3A_70 = tpu.vector_load %arg9[%swap3A, %swap3A_69] {strides = array<i32>} : memref<128x128xf32, #tpu.memory_space<vmem>>, vector<1x16xf32>,
      %swap3A_71 = vector.shape_cast %swap3A_70 : vector<1x16xf32> to vector<16xf32>
      %swap3A_72 = vector.shape_cast %broadcast_in_dim3A_36 : vector<16xf32> to vector<1x16xf32>
      tpu.vector_store %arg9[%swap3A, %swap3A_69], %swap3A_72 {strides = array<i32>} : memref<128x128xf32, #tpu.memory_space<vmem>>, vector<1x16xf32>,
    }
    %scan3A_5 = arith.constant 1024 : i32
    %mul3A_6 = arith.constant 640 : i32
    %mul3A_7 = arith.muli %arg1, %mul3A_6 : i32
    %add3A_8 = arith.constant 0 : i32
    %add3A_9 = arith.addi %mul3A_7, %add3A_8 : i32
    "tpu.region"() ({
      %run_scoped3A = tpu.sem_alloc : memref<!tpu.dma_semaphore, #tpu.memory_space<semaphore_mem>>
      %dma_start3A = arith.constant 0 : i32
      %dma_start3A_35 = tpu.memref_slice %arg6[%add3A_9, %dma_start3A] : memref<10240x128xf32, #tpu.memory_space<vmem_shared>> -> memref<128x128xf32, #tpu.memory_space<vmem_shared>>
      %dma_start3A_36 = arith.constant 0 : i32
      %dma_start3A_37 = tpu.memref_slice %arg6[%add3A_9, %dma_start3A_36] : memref<10240x128xf32, #tpu.memory_space<vmem_shared>> -> memref<128x128xf32, #tpu.memory_space<vmem_shared>>
      tpu.enqueue_dma source(%arg9 : memref<128x128xf32, #tpu.memory_space<vmem>>) target(%dma_start3A_37 : memref<128x128xf32, #tpu.memory_space<vmem_shared>>) target_semaphore(%run_scoped3A : memref<!tpu.dma_semaphore, #tpu.memory_space<semaphore_mem>>)
      %dma_wait3A = arith.constant 0 : i32
      %dma_wait3A_38 = tpu.memref_slice %arg6[%add3A_9, %dma_wait3A] : memref<10240x128xf32, #tpu.memory_space<vmem_shared>> -> memref<128x128xf32, #tpu.memory_space<vmem_shared>>
      %dma_wait3A_39 = arith.constant 0 : i32
      %dma_wait3A_40 = tpu.memref_slice %arg6[%add3A_9, %dma_wait3A_39] : memref<10240x128xf32, #tpu.memory_space<vmem_shared>> -> memref<128x128xf32, #tpu.memory_space<vmem_shared>>
      tpu.wait_dma2 semaphore(%run_scoped3A : memref<!tpu.dma_semaphore, #tpu.memory_space<semaphore_mem>>) src(%arg9 : memref<128x128xf32, #tpu.memory_space<vmem>>) dst(%dma_wait3A_40 : memref<128x128xf32, #tpu.memory_space<vmem_shared>>)
      tpu.yield
    }) : () -> ()
    %mul3A_10 = arith.constant 640 : i32
    %mul3A_11 = arith.muli %arg1, %mul3A_10 : i32
    %add3A_12 = arith.constant 128 : i32
    %add3A_13 = arith.addi %mul3A_11, %add3A_12 : i32
    "tpu.region"() ({
      %run_scoped3A = tpu.sem_alloc : memref<!tpu.dma_semaphore, #tpu.memory_space<semaphore_mem>>
      %dma_start3A = arith.constant 0 : i32
      %dma_start3A_35 = tpu.memref_slice %arg6[%add3A_13, %dma_start3A] : memref<10240x128xf32, #tpu.memory_space<vmem_shared>> -> memref<128x128xf32, #tpu.memory_space<vmem_shared>>
      %dma_start3A_36 = arith.constant 0 : i32
      %dma_start3A_37 = tpu.memref_slice %arg6[%add3A_13, %dma_start3A_36] : memref<10240x128xf32, #tpu.memory_space<vmem_shared>> -> memref<128x128xf32, #tpu.memory_space<vmem_shared>>
      tpu.enqueue_dma source(%arg9 : memref<128x128xf32, #tpu.memory_space<vmem>>) target(%dma_start3A_37 : memref<128x128xf32, #tpu.memory_space<vmem_shared>>) target_semaphore(%run_scoped3A : memref<!tpu.dma_semaphore, #tpu.memory_space<semaphore_mem>>)
      %dma_wait3A = arith.constant 0 : i32
      %dma_wait3A_38 = tpu.memref_slice %arg6[%add3A_13, %dma_wait3A] : memref<10240x128xf32, #tpu.memory_space<vmem_shared>> -> memref<128x128xf32, #tpu.memory_space<vmem_shared>>
      %dma_wait3A_39 = arith.constant 0 : i32
      %dma_wait3A_40 = tpu.memref_slice %arg6[%add3A_13, %dma_wait3A_39] : memref<10240x128xf32, #tpu.memory_space<vmem_shared>> -> memref<128x128xf32, #tpu.memory_space<vmem_shared>>
      tpu.wait_dma2 semaphore(%run_scoped3A : memref<!tpu.dma_semaphore, #tpu.memory_space<semaphore_mem>>) src(%arg9 : memref<128x128xf32, #tpu.memory_space<vmem>>) dst(%dma_wait3A_40 : memref<128x128xf32, #tpu.memory_space<vmem_shared>>)
      tpu.yield
    }) : () -> ()
    %mul3A_14 = arith.constant 640 : i32
    %mul3A_15 = arith.muli %arg1, %mul3A_14 : i32
    %add3A_16 = arith.constant 256 : i32
    %add3A_17 = arith.addi %mul3A_15, %add3A_16 : i32
    "tpu.region"() ({
      %run_scoped3A = tpu.sem_alloc : memref<!tpu.dma_semaphore, #tpu.memory_space<semaphore_mem>>
      %dma_start3A = arith.constant 0 : i32
      %dma_start3A_35 = tpu.memref_slice %arg6[%add3A_17, %dma_start3A] : memref<10240x128xf32, #tpu.memory_space<vmem_shared>> -> memref<128x128xf32, #tpu.memory_space<vmem_shared>>
      %dma_start3A_36 = arith.constant 0 : i32
      %dma_start3A_37 = tpu.memref_slice %arg6[%add3A_17, %dma_start3A_36] : memref<10240x128xf32, #tpu.memory_space<vmem_shared>> -> memref<128x128xf32, #tpu.memory_space<vmem_shared>>
      tpu.enqueue_dma source(%arg9 : memref<128x128xf32, #tpu.memory_space<vmem>>) target(%dma_start3A_37 : memref<128x128xf32, #tpu.memory_space<vmem_shared>>) target_semaphore(%run_scoped3A : memref<!tpu.dma_semaphore, #tpu.memory_space<semaphore_mem>>)
      %dma_wait3A = arith.constant 0 : i32
      %dma_wait3A_38 = tpu.memref_slice %arg6[%add3A_17, %dma_wait3A] : memref<10240x128xf32, #tpu.memory_space<vmem_shared>> -> memref<128x128xf32, #tpu.memory_space<vmem_shared>>
      %dma_wait3A_39 = arith.constant 0 : i32
      %dma_wait3A_40 = tpu.memref_slice %arg6[%add3A_17, %dma_wait3A_39] : memref<10240x128xf32, #tpu.memory_space<vmem_shared>> -> memref<128x128xf32, #tpu.memory_space<vmem_shared>>
      tpu.wait_dma2 semaphore(%run_scoped3A : memref<!tpu.dma_semaphore, #tpu.memory_space<semaphore_mem>>) src(%arg9 : memref<128x128xf32, #tpu.memory_space<vmem>>) dst(%dma_wait3A_40 : memref<128x128xf32, #tpu.memory_space<vmem_shared>>)
      tpu.yield
    }) : () -> ()
    %mul3A_18 = arith.constant 640 : i32
    %mul3A_19 = arith.muli %arg1, %mul3A_18 : i32
    %add3A_20 = arith.constant 384 : i32
    %add3A_21 = arith.addi %mul3A_19, %add3A_20 : i32
    "tpu.region"() ({
      %run_scoped3A = tpu.sem_alloc : memref<!tpu.dma_semaphore, #tpu.memory_space<semaphore_mem>>
      %dma_start3A = arith.constant 0 : i32
      %dma_start3A_35 = tpu.memref_slice %arg6[%add3A_21, %dma_start3A] : memref<10240x128xf32, #tpu.memory_space<vmem_shared>> -> memref<128x128xf32, #tpu.memory_space<vmem_shared>>
      %dma_start3A_36 = arith.constant 0 : i32
      %dma_start3A_37 = tpu.memref_slice %arg6[%add3A_21, %dma_start3A_36] : memref<10240x128xf32, #tpu.memory_space<vmem_shared>> -> memref<128x128xf32, #tpu.memory_space<vmem_shared>>
      tpu.enqueue_dma source(%arg9 : memref<128x128xf32, #tpu.memory_space<vmem>>) target(%dma_start3A_37 : memref<128x128xf32, #tpu.memory_space<vmem_shared>>) target_semaphore(%run_scoped3A : memref<!tpu.dma_semaphore, #tpu.memory_space<semaphore_mem>>)
      %dma_wait3A = arith.constant 0 : i32
      %dma_wait3A_38 = tpu.memref_slice %arg6[%add3A_21, %dma_wait3A] : memref<10240x128xf32, #tpu.memory_space<vmem_shared>> -> memref<128x128xf32, #tpu.memory_space<vmem_shared>>
      %dma_wait3A_39 = arith.constant 0 : i32
      %dma_wait3A_40 = tpu.memref_slice %arg6[%add3A_21, %dma_wait3A_39] : memref<10240x128xf32, #tpu.memory_space<vmem_shared>> -> memref<128x128xf32, #tpu.memory_space<vmem_shared>>
      tpu.wait_dma2 semaphore(%run_scoped3A : memref<!tpu.dma_semaphore, #tpu.memory_space<semaphore_mem>>) src(%arg9 : memref<128x128xf32, #tpu.memory_space<vmem>>) dst(%dma_wait3A_40 : memref<128x128xf32, #tpu.memory_space<vmem_shared>>)
      tpu.yield
    }) : () -> ()
    %mul3A_22 = arith.constant 640 : i32
    %mul3A_23 = arith.muli %arg1, %mul3A_22 : i32
    %add3A_24 = arith.constant 512 : i32
    %add3A_25 = arith.addi %mul3A_23, %add3A_24 : i32
    "tpu.region"() ({
      %run_scoped3A = tpu.sem_alloc : memref<!tpu.dma_semaphore, #tpu.memory_space<semaphore_mem>>
      %dma_start3A = arith.constant 0 : i32
      %dma_start3A_35 = tpu.memref_slice %arg6[%add3A_25, %dma_start3A] : memref<10240x128xf32, #tpu.memory_space<vmem_shared>> -> memref<128x128xf32, #tpu.memory_space<vmem_shared>>
      %dma_start3A_36 = arith.constant 0 : i32
      %dma_start3A_37 = tpu.memref_slice %arg6[%add3A_25, %dma_start3A_36] : memref<10240x128xf32, #tpu.memory_space<vmem_shared>> -> memref<128x128xf32, #tpu.memory_space<vmem_shared>>
      tpu.enqueue_dma source(%arg9 : memref<128x128xf32, #tpu.memory_space<vmem>>) target(%dma_start3A_37 : memref<128x128xf32, #tpu.memory_space<vmem_shared>>) target_semaphore(%run_scoped3A : memref<!tpu.dma_semaphore, #tpu.memory_space<semaphore_mem>>)
      %dma_wait3A = arith.constant 0 : i32
      %dma_wait3A_38 = tpu.memref_slice %arg6[%add3A_25, %dma_wait3A] : memref<10240x128xf32, #tpu.memory_space<vmem_shared>> -> memref<128x128xf32, #tpu.memory_space<vmem_shared>>
      %dma_wait3A_39 = arith.constant 0 : i32
      %dma_wait3A_40 = tpu.memref_slice %arg6[%add3A_25, %dma_wait3A_39] : memref<10240x128xf32, #tpu.memory_space<vmem_shared>> -> memref<128x128xf32, #tpu.memory_space<vmem_shared>>
      tpu.wait_dma2 semaphore(%run_scoped3A : memref<!tpu.dma_semaphore, #tpu.memory_space<semaphore_mem>>) src(%arg9 : memref<128x128xf32, #tpu.memory_space<vmem>>) dst(%dma_wait3A_40 : memref<128x128xf32, #tpu.memory_space<vmem_shared>>)
      tpu.yield
    }) : () -> ()
    %barrier3A = arith.constant 0 : index
    tpu.barrier barrier_id(%barrier3A)
    "tpu.region"() ({
      %run_scoped3A = tpu.sem_alloc : memref<!tpu.dma_semaphore, #tpu.memory_space<semaphore_mem>>
      %dma_start3A = arith.constant 0 : i32
      %dma_start3A_35 = arith.constant 0 : i32
      %dma_start3A_36 = tpu.memref_slice %arg3[%add3A, %dma_start3A, %dma_start3A_35] : memref<32x79x128xi32, #tpu.memory_space<hbm>> -> memref<1x79x128xi32, #tpu.memory_space<hbm>>
      %dma_start3A_37 = tpu.memref_squeeze %dma_start3A_36 : memref<1x79x128xi32, #tpu.memory_space<hbm>> -> memref<79x128xi32, #tpu.memory_space<hbm>>
      %dma_start3A_38 = arith.constant 0 : i32
      %dma_start3A_39 = arith.constant 0 : i32
      %dma_start3A_40 = tpu.memref_slice %arg3[%add3A, %dma_start3A_38, %dma_start3A_39] : memref<32x79x128xi32, #tpu.memory_space<hbm>> -> memref<1x79x128xi32, #tpu.memory_space<hbm>>
      %dma_start3A_41 = tpu.memref_squeeze %dma_start3A_40 : memref<1x79x128xi32, #tpu.memory_space<hbm>> -> memref<79x128xi32, #tpu.memory_space<hbm>>
      tpu.enqueue_dma source(%dma_start3A_41 : memref<79x128xi32, #tpu.memory_space<hbm>>) target(%arg7 : memref<79x128xi32, #tpu.memory_space<vmem>>) target_semaphore(%run_scoped3A : memref<!tpu.dma_semaphore, #tpu.memory_space<semaphore_mem>>)
      %dma_wait3A = arith.constant 0 : i32
      %dma_wait3A_42 = arith.constant 0 : i32
      %dma_wait3A_43 = tpu.memref_slice %arg3[%add3A, %dma_wait3A, %dma_wait3A_42] : memref<32x79x128xi32, #tpu.memory_space<hbm>> -> memref<1x79x128xi32, #tpu.memory_space<hbm>>
      %dma_wait3A_44 = tpu.memref_squeeze %dma_wait3A_43 : memref<1x79x128xi32, #tpu.memory_space<hbm>> -> memref<79x128xi32, #tpu.memory_space<hbm>>
      %dma_wait3A_45 = arith.constant 0 : i32
      %dma_wait3A_46 = arith.constant 0 : i32
      %dma_wait3A_47 = tpu.memref_slice %arg3[%add3A, %dma_wait3A_45, %dma_wait3A_46] : memref<32x79x128xi32, #tpu.memory_space<hbm>> -> memref<1x79x128xi32, #tpu.memory_space<hbm>>
      %dma_wait3A_48 = tpu.memref_squeeze %dma_wait3A_47 : memref<1x79x128xi32, #tpu.memory_space<hbm>> -> memref<79x128xi32, #tpu.memory_space<hbm>>
      tpu.wait_dma2 semaphore(%run_scoped3A : memref<!tpu.dma_semaphore, #tpu.memory_space<semaphore_mem>>) src(%dma_wait3A_48 : memref<79x128xi32, #tpu.memory_space<hbm>>) dst(%arg7 : memref<79x128xi32, #tpu.memory_space<vmem>>)
      tpu.yield
    }) : () -> ()
    "tpu.region"() ({
      %run_scoped3A = tpu.sem_alloc : memref<!tpu.dma_semaphore, #tpu.memory_space<semaphore_mem>>
      %dma_start3A = arith.constant 0 : i32
      %dma_start3A_35 = arith.constant 0 : i32
      %dma_start3A_36 = tpu.memref_slice %arg4[%add3A, %dma_start3A, %dma_start3A_35] : memref<32x79x128xi32, #tpu.memory_space<hbm>> -> memref<1x79x128xi32, #tpu.memory_space<hbm>>
      %dma_start3A_37 = tpu.memref_squeeze %dma_start3A_36 : memref<1x79x128xi32, #tpu.memory_space<hbm>> -> memref<79x128xi32, #tpu.memory_space<hbm>>
      %dma_start3A_38 = arith.constant 0 : i32
      %dma_start3A_39 = arith.constant 0 : i32
      %dma_start3A_40 = tpu.memref_slice %arg4[%add3A, %dma_start3A_38, %dma_start3A_39] : memref<32x79x128xi32, #tpu.memory_space<hbm>> -> memref<1x79x128xi32, #tpu.memory_space<hbm>>
      %dma_start3A_41 = tpu.memref_squeeze %dma_start3A_40 : memref<1x79x128xi32, #tpu.memory_space<hbm>> -> memref<79x128xi32, #tpu.memory_space<hbm>>
      tpu.enqueue_dma source(%dma_start3A_41 : memref<79x128xi32, #tpu.memory_space<hbm>>) target(%arg8 : memref<79x128xi32, #tpu.memory_space<vmem>>) target_semaphore(%run_scoped3A : memref<!tpu.dma_semaphore, #tpu.memory_space<semaphore_mem>>)
      %dma_wait3A = arith.constant 0 : i32
      %dma_wait3A_42 = arith.constant 0 : i32
      %dma_wait3A_43 = tpu.memref_slice %arg4[%add3A, %dma_wait3A, %dma_wait3A_42] : memref<32x79x128xi32, #tpu.memory_space<hbm>> -> memref<1x79x128xi32, #tpu.memory_space<hbm>>
      %dma_wait3A_44 = tpu.memref_squeeze %dma_wait3A_43 : memref<1x79x128xi32, #tpu.memory_space<hbm>> -> memref<79x128xi32, #tpu.memory_space<hbm>>
      %dma_wait3A_45 = arith.constant 0 : i32
      %dma_wait3A_46 = arith.constant 0 : i32
      %dma_wait3A_47 = tpu.memref_slice %arg4[%add3A, %dma_wait3A_45, %dma_wait3A_46] : memref<32x79x128xi32, #tpu.memory_space<hbm>> -> memref<1x79x128xi32, #tpu.memory_space<hbm>>
      %dma_wait3A_48 = tpu.memref_squeeze %dma_wait3A_47 : memref<1x79x128xi32, #tpu.memory_space<hbm>> -> memref<79x128xi32, #tpu.memory_space<hbm>>
      tpu.wait_dma2 semaphore(%run_scoped3A : memref<!tpu.dma_semaphore, #tpu.memory_space<semaphore_mem>>) src(%dma_wait3A_48 : memref<79x128xi32, #tpu.memory_space<hbm>>) dst(%arg8 : memref<79x128xi32, #tpu.memory_space<vmem>>)
      tpu.yield
    }) : () -> ()
    %scan3A_26 = arith.constant 0 : i32
    %scan3A_27 = arith.constant 0 : i32
    %scan3A_28 = arith.constant 79 : i32
    %scan3A_29 = arith.addi %scan3A_27, %scan3A_28 : i32
    %scan3A_30 = arith.constant 1 : i32
    scf.for %scan3A_35 = %scan3A_27 to %scan3A_29 step %scan3A_30  : i32 {
      %dma_start3A = arith.constant 0 : i32
      %dma_start3A_36 = tpu.memref_slice %arg7[%scan3A_35, %dma_start3A] : memref<79x128xi32, #tpu.memory_space<vmem>> -> memref<1x128xi32, #tpu.memory_space<vmem>>
      %dma_start3A_37 = tpu.memref_squeeze %dma_start3A_36 : memref<1x128xi32, #tpu.memory_space<vmem>> -> memref<128xi32, #tpu.memory_space<vmem>>
      %dma_start3A_38 = arith.constant 0 : i32
      %dma_start3A_39 = arith.constant 0 : i32
      %dma_start3A_40 = tpu.memref_slice %arg2[%dma_start3A_38, %dma_start3A_39] : memref<10240x128xf32, #tpu.memory_space<hbm>> -> memref<10240x128xf32, #tpu.memory_space<hbm>>
      tpu.enqueue_indirect_dma source(%dma_start3A_40 : memref<10240x128xf32, #tpu.memory_space<hbm>>) target(%arg9 : memref<128x128xf32, #tpu.memory_space<vmem>>) offsets(%dma_start3A_37 : memref<128xi32, #tpu.memory_space<vmem>>) semaphore(%arg10 : memref<!tpu.dma_semaphore, #tpu.memory_space<semaphore_mem>>)
      %dma_wait3A = arith.constant 0 : i32
      %dma_wait3A_41 = tpu.memref_slice %arg7[%scan3A_35, %dma_wait3A] : memref<79x128xi32, #tpu.memory_space<vmem>> -> memref<1x128xi32, #tpu.memory_space<vmem>>
      %dma_wait3A_42 = tpu.memref_squeeze %dma_wait3A_41 : memref<1x128xi32, #tpu.memory_space<vmem>> -> memref<128xi32, #tpu.memory_space<vmem>>
      %dma_wait3A_43 = arith.constant 0 : i32
      %dma_wait3A_44 = arith.constant 0 : i32
      %dma_wait3A_45 = tpu.memref_slice %arg2[%dma_wait3A_43, %dma_wait3A_44] : memref<10240x128xf32, #tpu.memory_space<hbm>> -> memref<10240x128xf32, #tpu.memory_space<hbm>>
      tpu.wait_indirect_dma semaphore(%arg10 : memref<!tpu.dma_semaphore, #tpu.memory_space<semaphore_mem>>) src(%dma_wait3A_45 : memref<10240x128xf32, #tpu.memory_space<hbm>>) dst(%arg9 : memref<128x128xf32, #tpu.memory_space<vmem>>)
      "tpu.region"() ({
        %run_scoped3A = tpu.sem_alloc : memref<!tpu.dma_semaphore, #tpu.memory_space<semaphore_mem>>
        %dma_start3A_46 = arith.constant 0 : i32
        %dma_start3A_47 = tpu.memref_slice %arg8[%scan3A_35, %dma_start3A_46] : memref<79x128xi32, #tpu.memory_space<vmem>> -> memref<1x128xi32, #tpu.memory_space<vmem>>
        %dma_start3A_48 = tpu.memref_squeeze %dma_start3A_47 : memref<1x128xi32, #tpu.memory_space<vmem>> -> memref<128xi32, #tpu.memory_space<vmem>>
        %dma_start3A_49 = arith.constant 0 : i32
        %dma_start3A_50 = arith.constant 0 : i32
        %dma_start3A_51 = tpu.memref_slice %arg6[%dma_start3A_49, %dma_start3A_50] : memref<10240x128xf32, #tpu.memory_space<vmem_shared>> -> memref<10240x128xf32, #tpu.memory_space<vmem_shared>>
        tpu.enqueue_indirect_dma source(%arg9 : memref<128x128xf32, #tpu.memory_space<vmem>>) target(%dma_start3A_51 : memref<10240x128xf32, #tpu.memory_space<vmem_shared>>) offsets(%dma_start3A_48 : memref<128xi32, #tpu.memory_space<vmem>>) semaphore(%run_scoped3A : memref<!tpu.dma_semaphore, #tpu.memory_space<semaphore_mem>>) {add = true}
        %dma_wait3A_52 = arith.constant 0 : i32
        %dma_wait3A_53 = tpu.memref_slice %arg8[%scan3A_35, %dma_wait3A_52] : memref<79x128xi32, #tpu.memory_space<vmem>> -> memref<1x128xi32, #tpu.memory_space<vmem>>
        %dma_wait3A_54 = tpu.memref_squeeze %dma_wait3A_53 : memref<1x128xi32, #tpu.memory_space<vmem>> -> memref<128xi32, #tpu.memory_space<vmem>>
        %dma_wait3A_55 = arith.constant 0 : i32
        %dma_wait3A_56 = arith.constant 0 : i32
        %dma_wait3A_57 = tpu.memref_slice %arg6[%dma_wait3A_55, %dma_wait3A_56] : memref<10240x128xf32, #tpu.memory_space<vmem_shared>> -> memref<10240x128xf32, #tpu.memory_space<vmem_shared>>
        tpu.wait_indirect_dma semaphore(%run_scoped3A : memref<!tpu.dma_semaphore, #tpu.memory_space<semaphore_mem>>) src(%arg9 : memref<128x128xf32, #tpu.memory_space<vmem>>) dst(%dma_wait3A_57 : memref<10240x128xf32, #tpu.memory_space<vmem_shared>>)
        tpu.yield
      }) : () -> ()
    }
    %scan3A_31 = arith.constant 79 : i32
    %barrier3A_32 = arith.constant 0 : index
    tpu.barrier barrier_id(%barrier3A_32)
    %mul3A_33 = arith.constant 640 : i32
    %mul3A_34 = arith.muli %arg1, %mul3A_33 : i32
    "tpu.region"() ({
      %run_scoped3A = tpu.sem_alloc : memref<!tpu.dma_semaphore, #tpu.memory_space<semaphore_mem>>
      %dma_start3A = arith.constant 0 : i32
      %dma_start3A_35 = tpu.memref_slice %arg5[%arg0, %mul3A_34, %dma_start3A] : memref<2x10240x128xf32, #tpu.memory_space<hbm>> -> memref<1x640x128xf32, #tpu.memory_space<hbm>>
      %dma_start3A_36 = tpu.memref_squeeze %dma_start3A_35 : memref<1x640x128xf32, #tpu.memory_space<hbm>> -> memref<640x128xf32, #tpu.memory_space<hbm>>
      %dma_start3A_37 = arith.constant 0 : i32
      %dma_start3A_38 = tpu.memref_slice %arg6[%mul3A_34, %dma_start3A_37] : memref<10240x128xf32, #tpu.memory_space<vmem_shared>> -> memref<640x128xf32, #tpu.memory_space<vmem_shared>>
      tpu.enqueue_dma source(%dma_start3A_38 : memref<640x128xf32, #tpu.memory_space<vmem_shared>>) target(%dma_start3A_36 : memref<640x128xf32, #tpu.memory_space<hbm>>) target_semaphore(%run_scoped3A : memref<!tpu.dma_semaphore, #tpu.memory_space<semaphore_mem>>)
      %dma_wait3A = arith.constant 0 : i32
      %dma_wait3A_39 = tpu.memref_slice %arg5[%arg0, %mul3A_34, %dma_wait3A] : memref<2x10240x128xf32, #tpu.memory_space<hbm>> -> memref<1x640x128xf32, #tpu.memory_space<hbm>>
      %dma_wait3A_40 = tpu.memref_squeeze %dma_wait3A_39 : memref<1x640x128xf32, #tpu.memory_space<hbm>> -> memref<640x128xf32, #tpu.memory_space<hbm>>
      %dma_wait3A_41 = arith.constant 0 : i32
      %dma_wait3A_42 = tpu.memref_slice %arg6[%mul3A_34, %dma_wait3A_41] : memref<10240x128xf32, #tpu.memory_space<vmem_shared>> -> memref<640x128xf32, #tpu.memory_space<vmem_shared>>
      tpu.wait_dma2 semaphore(%run_scoped3A : memref<!tpu.dma_semaphore, #tpu.memory_space<semaphore_mem>>) src(%dma_wait3A_42 : memref<640x128xf32, #tpu.memory_space<vmem_shared>>) dst(%dma_wait3A_40 : memref<640x128xf32, #tpu.memory_space<hbm>>)
      tpu.yield
    }) : () -> ()
    return
  }
}

#map = affine_map<(d0, d1) -> (0, 0)>
#map1 = affine_map<(d0, d1) -> (0, 0, 0)>
module attributes {stable_mosaic.version = 14 : i64} {
  func.func @_edge_kernel(%arg0: i32, %arg1: i32, %arg2: memref<10240x128xf32, #tpu.memory_space<hbm>>, %arg3: memref<32x79x128xi32, #tpu.memory_space<hbm>>, %arg4: memref<32x79x128xi32, #tpu.memory_space<hbm>>, %arg5: memref<2x10240x128xf32, #tpu.memory_space<hbm>>, %arg6: memref<10240x128xf32, #tpu.memory_space<vmem_shared>>, %arg7: memref<79x128xi32, #tpu.memory_space<vmem>>, %arg8: memref<79x128xi32, #tpu.memory_space<vmem>>, %arg9: memref<128x128xf32, #tpu.memory_space<vmem>>, %arg10: memref<!tpu.dma_semaphore, #tpu.memory_space<semaphore_mem>>) attributes {dimension_semantics = [#tpu.dimension_semantics<core_parallel>, #tpu.dimension_semantics<subcore_parallel>], iteration_bounds = array<i64: 2, 16>, scalar_prefetch = 0 : i64, scratch_operands = 5 : i64, tpu.core_type = #tpu.core_type<sc_vector_subcore>, window_params = [{transform_indices = #map}, {transform_indices = #map1}, {transform_indices = #map1}, {transform_indices = #map1}]} {
    %mul3A = arith.constant 2 : i32
    %mul3A_0 = arith.muli %arg1, %mul3A : i32
    %add3A = arith.addi %mul3A_0, %arg0 : i32
    %scan3A = arith.constant 0 : i32
    %scan3A_1 = arith.constant 0 : i32
    %scan3A_2 = arith.constant 1024 : i32
    %scan3A_3 = arith.addi %scan3A_1, %scan3A_2 : i32
    %scan3A_4 = arith.constant 1 : i32
    scf.for %scan3A_35 = %scan3A_1 to %scan3A_3 step %scan3A_4  : i32 {
      %broadcast_in_dim3A = arith.constant 0.000000e+00 : f32
      %broadcast_in_dim3A_36 = vector.broadcast %broadcast_in_dim3A : f32 to vector<16xf32>
      %jit3A = arith.constant 8 : i32
      %div3A = arith.divsi %scan3A_35, %jit3A : i32
      %sign3A = arith.constant 0 : i32
      %sign3A_37 = arith.cmpi sgt, %scan3A_35, %sign3A : i32
      %sign3A_38 = arith.extui %sign3A_37 : i1 to i32
      %sign3A_39 = arith.constant 0 : i32
      %sign3A_40 = arith.cmpi slt, %scan3A_35, %sign3A_39 : i32
      %sign3A_41 = arith.extui %sign3A_40 : i1 to i32
      %sign3A_42 = arith.subi %sign3A_38, %sign3A_41 : i32
      %sign3A_43 = arith.constant 0 : i32
      %sign3A_44 = arith.cmpi sgt, %jit3A, %sign3A_43 : i32
      %sign3A_45 = arith.extui %sign3A_44 : i1 to i32
      %sign3A_46 = arith.constant 0 : i32
      %sign3A_47 = arith.cmpi slt, %jit3A, %sign3A_46 : i32
      %sign3A_48 = arith.extui %sign3A_47 : i1 to i32
      %sign3A_49 = arith.subi %sign3A_45, %sign3A_48 : i32
      %ne3A = arith.cmpi ne, %sign3A_42, %sign3A_49 : i32
      %rem3A = arith.remsi %scan3A_35, %jit3A : i32
      %ne3A_50 = arith.constant 0 : i32
      %ne3A_51 = arith.cmpi ne, %rem3A, %ne3A_50 : i32
      %and3A = arith.andi %ne3A, %ne3A_51 : i1
      %sub3A = arith.constant 1 : i32
      %sub3A_52 = arith.subi %div3A, %sub3A : i32
      %select_n3A = arith.select %and3A, %sub3A_52, %div3A : i32
      %jit3A_53 = arith.constant 8 : i32
      %eq3A = arith.constant 0 : i32
      %eq3A_54 = arith.cmpi eq, %jit3A_53, %eq3A : i32
      %jit3A_55 = arith.constant 1 : i32
      %select_n3A_56 = arith.select %eq3A_54, %jit3A_55, %jit3A_53 : i32
      %rem3A_57 = arith.remsi %scan3A_35, %select_n3A_56 : i32
      %ne3A_58 = arith.constant 0 : i32
      %ne3A_59 = arith.cmpi ne, %rem3A_57, %ne3A_58 : i32
      %lt3A = arith.constant 0 : i32
      %lt3A_60 = arith.cmpi slt, %rem3A_57, %lt3A : i32
      %lt3A_61 = arith.constant 0 : i32
      %lt3A_62 = arith.cmpi slt, %select_n3A_56, %lt3A_61 : i32
      %ne3A_63 = arith.xori %lt3A_60, %lt3A_62 : i1
      %and3A_64 = arith.andi %ne3A_63, %ne3A_59 : i1
      %add3A_65 = arith.addi %rem3A_57, %select_n3A_56 : i32
      %select_n3A_66 = arith.select %and3A_64, %add3A_65, %rem3A_57 : i32
      %mul3A_67 = arith.constant 16 : i32
      %mul3A_68 = arith.muli %select_n3A_66, %mul3A_67 : i32
      %swap3A = arith.index_cast %select_n3A : i32 to index
      %swap3A_69 = arith.index_cast %mul3A_68 : i32 to index
      %swap3A_70 = tpu.vector_load %arg9[%swap3A, %swap3A_69] {strides = array<i32>} : memref<128x128xf32, #tpu.memory_space<vmem>>, vector<1x16xf32>,
      %swap3A_71 = vector.shape_cast %swap3A_70 : vector<1x16xf32> to vector<16xf32>
      %swap3A_72 = vector.shape_cast %broadcast_in_dim3A_36 : vector<16xf32> to vector<1x16xf32>
      tpu.vector_store %arg9[%swap3A, %swap3A_69], %swap3A_72 {strides = array<i32>} : memref<128x128xf32, #tpu.memory_space<vmem>>, vector<1x16xf32>,
    }
    %scan3A_5 = arith.constant 1024 : i32
    %mul3A_6 = arith.constant 640 : i32
    %mul3A_7 = arith.muli %arg1, %mul3A_6 : i32
    %add3A_8 = arith.constant 0 : i32
    %add3A_9 = arith.addi %mul3A_7, %add3A_8 : i32
    "tpu.region"() ({
      %run_scoped3A = tpu.sem_alloc : memref<!tpu.dma_semaphore, #tpu.memory_space<semaphore_mem>>
      %dma_start3A = arith.constant 0 : i32
      %dma_start3A_35 = tpu.memref_slice %arg6[%add3A_9, %dma_start3A] : memref<10240x128xf32, #tpu.memory_space<vmem_shared>> -> memref<128x128xf32, #tpu.memory_space<vmem_shared>>
      %dma_start3A_36 = arith.constant 0 : i32
      %dma_start3A_37 = tpu.memref_slice %arg6[%add3A_9, %dma_start3A_36] : memref<10240x128xf32, #tpu.memory_space<vmem_shared>> -> memref<128x128xf32, #tpu.memory_space<vmem_shared>>
      tpu.enqueue_dma source(%arg9 : memref<128x128xf32, #tpu.memory_space<vmem>>) target(%dma_start3A_37 : memref<128x128xf32, #tpu.memory_space<vmem_shared>>) target_semaphore(%run_scoped3A : memref<!tpu.dma_semaphore, #tpu.memory_space<semaphore_mem>>)
      %dma_wait3A = arith.constant 0 : i32
      %dma_wait3A_38 = tpu.memref_slice %arg6[%add3A_9, %dma_wait3A] : memref<10240x128xf32, #tpu.memory_space<vmem_shared>> -> memref<128x128xf32, #tpu.memory_space<vmem_shared>>
      %dma_wait3A_39 = arith.constant 0 : i32
      %dma_wait3A_40 = tpu.memref_slice %arg6[%add3A_9, %dma_wait3A_39] : memref<10240x128xf32, #tpu.memory_space<vmem_shared>> -> memref<128x128xf32, #tpu.memory_space<vmem_shared>>
      tpu.wait_dma2 semaphore(%run_scoped3A : memref<!tpu.dma_semaphore, #tpu.memory_space<semaphore_mem>>) src(%arg9 : memref<128x128xf32, #tpu.memory_space<vmem>>) dst(%dma_wait3A_40 : memref<128x128xf32, #tpu.memory_space<vmem_shared>>)
      tpu.yield
    }) : () -> ()
    %mul3A_10 = arith.constant 640 : i32
    %mul3A_11 = arith.muli %arg1, %mul3A_10 : i32
    %add3A_12 = arith.constant 128 : i32
    %add3A_13 = arith.addi %mul3A_11, %add3A_12 : i32
    "tpu.region"() ({
      %run_scoped3A = tpu.sem_alloc : memref<!tpu.dma_semaphore, #tpu.memory_space<semaphore_mem>>
      %dma_start3A = arith.constant 0 : i32
      %dma_start3A_35 = tpu.memref_slice %arg6[%add3A_13, %dma_start3A] : memref<10240x128xf32, #tpu.memory_space<vmem_shared>> -> memref<128x128xf32, #tpu.memory_space<vmem_shared>>
      %dma_start3A_36 = arith.constant 0 : i32
      %dma_start3A_37 = tpu.memref_slice %arg6[%add3A_13, %dma_start3A_36] : memref<10240x128xf32, #tpu.memory_space<vmem_shared>> -> memref<128x128xf32, #tpu.memory_space<vmem_shared>>
      tpu.enqueue_dma source(%arg9 : memref<128x128xf32, #tpu.memory_space<vmem>>) target(%dma_start3A_37 : memref<128x128xf32, #tpu.memory_space<vmem_shared>>) target_semaphore(%run_scoped3A : memref<!tpu.dma_semaphore, #tpu.memory_space<semaphore_mem>>)
      %dma_wait3A = arith.constant 0 : i32
      %dma_wait3A_38 = tpu.memref_slice %arg6[%add3A_13, %dma_wait3A] : memref<10240x128xf32, #tpu.memory_space<vmem_shared>> -> memref<128x128xf32, #tpu.memory_space<vmem_shared>>
      %dma_wait3A_39 = arith.constant 0 : i32
      %dma_wait3A_40 = tpu.memref_slice %arg6[%add3A_13, %dma_wait3A_39] : memref<10240x128xf32, #tpu.memory_space<vmem_shared>> -> memref<128x128xf32, #tpu.memory_space<vmem_shared>>
      tpu.wait_dma2 semaphore(%run_scoped3A : memref<!tpu.dma_semaphore, #tpu.memory_space<semaphore_mem>>) src(%arg9 : memref<128x128xf32, #tpu.memory_space<vmem>>) dst(%dma_wait3A_40 : memref<128x128xf32, #tpu.memory_space<vmem_shared>>)
      tpu.yield
    }) : () -> ()
    %mul3A_14 = arith.constant 640 : i32
    %mul3A_15 = arith.muli %arg1, %mul3A_14 : i32
    %add3A_16 = arith.constant 256 : i32
    %add3A_17 = arith.addi %mul3A_15, %add3A_16 : i32
    "tpu.region"() ({
      %run_scoped3A = tpu.sem_alloc : memref<!tpu.dma_semaphore, #tpu.memory_space<semaphore_mem>>
      %dma_start3A = arith.constant 0 : i32
      %dma_start3A_35 = tpu.memref_slice %arg6[%add3A_17, %dma_start3A] : memref<10240x128xf32, #tpu.memory_space<vmem_shared>> -> memref<128x128xf32, #tpu.memory_space<vmem_shared>>
      %dma_start3A_36 = arith.constant 0 : i32
      %dma_start3A_37 = tpu.memref_slice %arg6[%add3A_17, %dma_start3A_36] : memref<10240x128xf32, #tpu.memory_space<vmem_shared>> -> memref<128x128xf32, #tpu.memory_space<vmem_shared>>
      tpu.enqueue_dma source(%arg9 : memref<128x128xf32, #tpu.memory_space<vmem>>) target(%dma_start3A_37 : memref<128x128xf32, #tpu.memory_space<vmem_shared>>) target_semaphore(%run_scoped3A : memref<!tpu.dma_semaphore, #tpu.memory_space<semaphore_mem>>)
      %dma_wait3A = arith.constant 0 : i32
      %dma_wait3A_38 = tpu.memref_slice %arg6[%add3A_17, %dma_wait3A] : memref<10240x128xf32, #tpu.memory_space<vmem_shared>> -> memref<128x128xf32, #tpu.memory_space<vmem_shared>>
      %dma_wait3A_39 = arith.constant 0 : i32
      %dma_wait3A_40 = tpu.memref_slice %arg6[%add3A_17, %dma_wait3A_39] : memref<10240x128xf32, #tpu.memory_space<vmem_shared>> -> memref<128x128xf32, #tpu.memory_space<vmem_shared>>
      tpu.wait_dma2 semaphore(%run_scoped3A : memref<!tpu.dma_semaphore, #tpu.memory_space<semaphore_mem>>) src(%arg9 : memref<128x128xf32, #tpu.memory_space<vmem>>) dst(%dma_wait3A_40 : memref<128x128xf32, #tpu.memory_space<vmem_shared>>)
      tpu.yield
    }) : () -> ()
    %mul3A_18 = arith.constant 640 : i32
    %mul3A_19 = arith.muli %arg1, %mul3A_18 : i32
    %add3A_20 = arith.constant 384 : i32
    %add3A_21 = arith.addi %mul3A_19, %add3A_20 : i32
    "tpu.region"() ({
      %run_scoped3A = tpu.sem_alloc : memref<!tpu.dma_semaphore, #tpu.memory_space<semaphore_mem>>
      %dma_start3A = arith.constant 0 : i32
      %dma_start3A_35 = tpu.memref_slice %arg6[%add3A_21, %dma_start3A] : memref<10240x128xf32, #tpu.memory_space<vmem_shared>> -> memref<128x128xf32, #tpu.memory_space<vmem_shared>>
      %dma_start3A_36 = arith.constant 0 : i32
      %dma_start3A_37 = tpu.memref_slice %arg6[%add3A_21, %dma_start3A_36] : memref<10240x128xf32, #tpu.memory_space<vmem_shared>> -> memref<128x128xf32, #tpu.memory_space<vmem_shared>>
      tpu.enqueue_dma source(%arg9 : memref<128x128xf32, #tpu.memory_space<vmem>>) target(%dma_start3A_37 : memref<128x128xf32, #tpu.memory_space<vmem_shared>>) target_semaphore(%run_scoped3A : memref<!tpu.dma_semaphore, #tpu.memory_space<semaphore_mem>>)
      %dma_wait3A = arith.constant 0 : i32
      %dma_wait3A_38 = tpu.memref_slice %arg6[%add3A_21, %dma_wait3A] : memref<10240x128xf32, #tpu.memory_space<vmem_shared>> -> memref<128x128xf32, #tpu.memory_space<vmem_shared>>
      %dma_wait3A_39 = arith.constant 0 : i32
      %dma_wait3A_40 = tpu.memref_slice %arg6[%add3A_21, %dma_wait3A_39] : memref<10240x128xf32, #tpu.memory_space<vmem_shared>> -> memref<128x128xf32, #tpu.memory_space<vmem_shared>>
      tpu.wait_dma2 semaphore(%run_scoped3A : memref<!tpu.dma_semaphore, #tpu.memory_space<semaphore_mem>>) src(%arg9 : memref<128x128xf32, #tpu.memory_space<vmem>>) dst(%dma_wait3A_40 : memref<128x128xf32, #tpu.memory_space<vmem_shared>>)
      tpu.yield
    }) : () -> ()
    %mul3A_22 = arith.constant 640 : i32
    %mul3A_23 = arith.muli %arg1, %mul3A_22 : i32
    %add3A_24 = arith.constant 512 : i32
    %add3A_25 = arith.addi %mul3A_23, %add3A_24 : i32
    "tpu.region"() ({
      %run_scoped3A = tpu.sem_alloc : memref<!tpu.dma_semaphore, #tpu.memory_space<semaphore_mem>>
      %dma_start3A = arith.constant 0 : i32
      %dma_start3A_35 = tpu.memref_slice %arg6[%add3A_25, %dma_start3A] : memref<10240x128xf32, #tpu.memory_space<vmem_shared>> -> memref<128x128xf32, #tpu.memory_space<vmem_shared>>
      %dma_start3A_36 = arith.constant 0 : i32
      %dma_start3A_37 = tpu.memref_slice %arg6[%add3A_25, %dma_start3A_36] : memref<10240x128xf32, #tpu.memory_space<vmem_shared>> -> memref<128x128xf32, #tpu.memory_space<vmem_shared>>
      tpu.enqueue_dma source(%arg9 : memref<128x128xf32, #tpu.memory_space<vmem>>) target(%dma_start3A_37 : memref<128x128xf32, #tpu.memory_space<vmem_shared>>) target_semaphore(%run_scoped3A : memref<!tpu.dma_semaphore, #tpu.memory_space<semaphore_mem>>)
      %dma_wait3A = arith.constant 0 : i32
      %dma_wait3A_38 = tpu.memref_slice %arg6[%add3A_25, %dma_wait3A] : memref<10240x128xf32, #tpu.memory_space<vmem_shared>> -> memref<128x128xf32, #tpu.memory_space<vmem_shared>>
      %dma_wait3A_39 = arith.constant 0 : i32
      %dma_wait3A_40 = tpu.memref_slice %arg6[%add3A_25, %dma_wait3A_39] : memref<10240x128xf32, #tpu.memory_space<vmem_shared>> -> memref<128x128xf32, #tpu.memory_space<vmem_shared>>
      tpu.wait_dma2 semaphore(%run_scoped3A : memref<!tpu.dma_semaphore, #tpu.memory_space<semaphore_mem>>) src(%arg9 : memref<128x128xf32, #tpu.memory_space<vmem>>) dst(%dma_wait3A_40 : memref<128x128xf32, #tpu.memory_space<vmem_shared>>)
      tpu.yield
    }) : () -> ()
    %barrier3A = arith.constant 0 : index
    tpu.barrier barrier_id(%barrier3A)
    "tpu.region"() ({
      %run_scoped3A = tpu.sem_alloc : memref<!tpu.dma_semaphore, #tpu.memory_space<semaphore_mem>>
      %dma_start3A = arith.constant 0 : i32
      %dma_start3A_35 = arith.constant 0 : i32
      %dma_start3A_36 = tpu.memref_slice %arg3[%add3A, %dma_start3A, %dma_start3A_35] : memref<32x79x128xi32, #tpu.memory_space<hbm>> -> memref<1x79x128xi32, #tpu.memory_space<hbm>>
      %dma_start3A_37 = tpu.memref_squeeze %dma_start3A_36 : memref<1x79x128xi32, #tpu.memory_space<hbm>> -> memref<79x128xi32, #tpu.memory_space<hbm>>
      %dma_start3A_38 = arith.constant 0 : i32
      %dma_start3A_39 = arith.constant 0 : i32
      %dma_start3A_40 = tpu.memref_slice %arg3[%add3A, %dma_start3A_38, %dma_start3A_39] : memref<32x79x128xi32, #tpu.memory_space<hbm>> -> memref<1x79x128xi32, #tpu.memory_space<hbm>>
      %dma_start3A_41 = tpu.memref_squeeze %dma_start3A_40 : memref<1x79x128xi32, #tpu.memory_space<hbm>> -> memref<79x128xi32, #tpu.memory_space<hbm>>
      tpu.enqueue_dma source(%dma_start3A_41 : memref<79x128xi32, #tpu.memory_space<hbm>>) target(%arg7 : memref<79x128xi32, #tpu.memory_space<vmem>>) target_semaphore(%run_scoped3A : memref<!tpu.dma_semaphore, #tpu.memory_space<semaphore_mem>>)
      %dma_wait3A = arith.constant 0 : i32
      %dma_wait3A_42 = arith.constant 0 : i32
      %dma_wait3A_43 = tpu.memref_slice %arg3[%add3A, %dma_wait3A, %dma_wait3A_42] : memref<32x79x128xi32, #tpu.memory_space<hbm>> -> memref<1x79x128xi32, #tpu.memory_space<hbm>>
      %dma_wait3A_44 = tpu.memref_squeeze %dma_wait3A_43 : memref<1x79x128xi32, #tpu.memory_space<hbm>> -> memref<79x128xi32, #tpu.memory_space<hbm>>
      %dma_wait3A_45 = arith.constant 0 : i32
      %dma_wait3A_46 = arith.constant 0 : i32
      %dma_wait3A_47 = tpu.memref_slice %arg3[%add3A, %dma_wait3A_45, %dma_wait3A_46] : memref<32x79x128xi32, #tpu.memory_space<hbm>> -> memref<1x79x128xi32, #tpu.memory_space<hbm>>
      %dma_wait3A_48 = tpu.memref_squeeze %dma_wait3A_47 : memref<1x79x128xi32, #tpu.memory_space<hbm>> -> memref<79x128xi32, #tpu.memory_space<hbm>>
      tpu.wait_dma2 semaphore(%run_scoped3A : memref<!tpu.dma_semaphore, #tpu.memory_space<semaphore_mem>>) src(%dma_wait3A_48 : memref<79x128xi32, #tpu.memory_space<hbm>>) dst(%arg7 : memref<79x128xi32, #tpu.memory_space<vmem>>)
      tpu.yield
    }) : () -> ()
    "tpu.region"() ({
      %run_scoped3A = tpu.sem_alloc : memref<!tpu.dma_semaphore, #tpu.memory_space<semaphore_mem>>
      %dma_start3A = arith.constant 0 : i32
      %dma_start3A_35 = arith.constant 0 : i32
      %dma_start3A_36 = tpu.memref_slice %arg4[%add3A, %dma_start3A, %dma_start3A_35] : memref<32x79x128xi32, #tpu.memory_space<hbm>> -> memref<1x79x128xi32, #tpu.memory_space<hbm>>
      %dma_start3A_37 = tpu.memref_squeeze %dma_start3A_36 : memref<1x79x128xi32, #tpu.memory_space<hbm>> -> memref<79x128xi32, #tpu.memory_space<hbm>>
      %dma_start3A_38 = arith.constant 0 : i32
      %dma_start3A_39 = arith.constant 0 : i32
      %dma_start3A_40 = tpu.memref_slice %arg4[%add3A, %dma_start3A_38, %dma_start3A_39] : memref<32x79x128xi32, #tpu.memory_space<hbm>> -> memref<1x79x128xi32, #tpu.memory_space<hbm>>
      %dma_start3A_41 = tpu.memref_squeeze %dma_start3A_40 : memref<1x79x128xi32, #tpu.memory_space<hbm>> -> memref<79x128xi32, #tpu.memory_space<hbm>>
      tpu.enqueue_dma source(%dma_start3A_41 : memref<79x128xi32, #tpu.memory_space<hbm>>) target(%arg8 : memref<79x128xi32, #tpu.memory_space<vmem>>) target_semaphore(%run_scoped3A : memref<!tpu.dma_semaphore, #tpu.memory_space<semaphore_mem>>)
      %dma_wait3A = arith.constant 0 : i32
      %dma_wait3A_42 = arith.constant 0 : i32
      %dma_wait3A_43 = tpu.memref_slice %arg4[%add3A, %dma_wait3A, %dma_wait3A_42] : memref<32x79x128xi32, #tpu.memory_space<hbm>> -> memref<1x79x128xi32, #tpu.memory_space<hbm>>
      %dma_wait3A_44 = tpu.memref_squeeze %dma_wait3A_43 : memref<1x79x128xi32, #tpu.memory_space<hbm>> -> memref<79x128xi32, #tpu.memory_space<hbm>>
      %dma_wait3A_45 = arith.constant 0 : i32
      %dma_wait3A_46 = arith.constant 0 : i32
      %dma_wait3A_47 = tpu.memref_slice %arg4[%add3A, %dma_wait3A_45, %dma_wait3A_46] : memref<32x79x128xi32, #tpu.memory_space<hbm>> -> memref<1x79x128xi32, #tpu.memory_space<hbm>>
      %dma_wait3A_48 = tpu.memref_squeeze %dma_wait3A_47 : memref<1x79x128xi32, #tpu.memory_space<hbm>> -> memref<79x128xi32, #tpu.memory_space<hbm>>
      tpu.wait_dma2 semaphore(%run_scoped3A : memref<!tpu.dma_semaphore, #tpu.memory_space<semaphore_mem>>) src(%dma_wait3A_48 : memref<79x128xi32, #tpu.memory_space<hbm>>) dst(%arg8 : memref<79x128xi32, #tpu.memory_space<vmem>>)
      tpu.yield
    }) : () -> ()
    %scan3A_26 = arith.constant 0 : i32
    %scan3A_27 = arith.constant 0 : i32
    %scan3A_28 = arith.constant 79 : i32
    %scan3A_29 = arith.addi %scan3A_27, %scan3A_28 : i32
    %scan3A_30 = arith.constant 1 : i32
    scf.for %scan3A_35 = %scan3A_27 to %scan3A_29 step %scan3A_30  : i32 {
      %dma_start3A = arith.constant 0 : i32
      %dma_start3A_36 = tpu.memref_slice %arg7[%scan3A_35, %dma_start3A] : memref<79x128xi32, #tpu.memory_space<vmem>> -> memref<1x128xi32, #tpu.memory_space<vmem>>
      %dma_start3A_37 = tpu.memref_squeeze %dma_start3A_36 : memref<1x128xi32, #tpu.memory_space<vmem>> -> memref<128xi32, #tpu.memory_space<vmem>>
      %dma_start3A_38 = arith.constant 0 : i32
      %dma_start3A_39 = arith.constant 0 : i32
      %dma_start3A_40 = tpu.memref_slice %arg2[%dma_start3A_38, %dma_start3A_39] : memref<10240x128xf32, #tpu.memory_space<hbm>> -> memref<10240x128xf32, #tpu.memory_space<hbm>>
      tpu.enqueue_indirect_dma source(%dma_start3A_40 : memref<10240x128xf32, #tpu.memory_space<hbm>>) target(%arg9 : memref<128x128xf32, #tpu.memory_space<vmem>>) offsets(%dma_start3A_37 : memref<128xi32, #tpu.memory_space<vmem>>) semaphore(%arg10 : memref<!tpu.dma_semaphore, #tpu.memory_space<semaphore_mem>>)
      %dma_wait3A = arith.constant 0 : i32
      %dma_wait3A_41 = tpu.memref_slice %arg7[%scan3A_35, %dma_wait3A] : memref<79x128xi32, #tpu.memory_space<vmem>> -> memref<1x128xi32, #tpu.memory_space<vmem>>
      %dma_wait3A_42 = tpu.memref_squeeze %dma_wait3A_41 : memref<1x128xi32, #tpu.memory_space<vmem>> -> memref<128xi32, #tpu.memory_space<vmem>>
      %dma_wait3A_43 = arith.constant 0 : i32
      %dma_wait3A_44 = arith.constant 0 : i32
      %dma_wait3A_45 = tpu.memref_slice %arg2[%dma_wait3A_43, %dma_wait3A_44] : memref<10240x128xf32, #tpu.memory_space<hbm>> -> memref<10240x128xf32, #tpu.memory_space<hbm>>
      tpu.wait_indirect_dma semaphore(%arg10 : memref<!tpu.dma_semaphore, #tpu.memory_space<semaphore_mem>>) src(%dma_wait3A_45 : memref<10240x128xf32, #tpu.memory_space<hbm>>) dst(%arg9 : memref<128x128xf32, #tpu.memory_space<vmem>>)
      "tpu.region"() ({
        %run_scoped3A = tpu.sem_alloc : memref<!tpu.dma_semaphore, #tpu.memory_space<semaphore_mem>>
        %dma_start3A_46 = arith.constant 0 : i32
        %dma_start3A_47 = tpu.memref_slice %arg8[%scan3A_35, %dma_start3A_46] : memref<79x128xi32, #tpu.memory_space<vmem>> -> memref<1x128xi32, #tpu.memory_space<vmem>>
        %dma_start3A_48 = tpu.memref_squeeze %dma_start3A_47 : memref<1x128xi32, #tpu.memory_space<vmem>> -> memref<128xi32, #tpu.memory_space<vmem>>
        %dma_start3A_49 = arith.constant 0 : i32
        %dma_start3A_50 = arith.constant 0 : i32
        %dma_start3A_51 = tpu.memref_slice %arg6[%dma_start3A_49, %dma_start3A_50] : memref<10240x128xf32, #tpu.memory_space<vmem_shared>> -> memref<10240x128xf32, #tpu.memory_space<vmem_shared>>
        tpu.enqueue_indirect_dma source(%arg9 : memref<128x128xf32, #tpu.memory_space<vmem>>) target(%dma_start3A_51 : memref<10240x128xf32, #tpu.memory_space<vmem_shared>>) offsets(%dma_start3A_48 : memref<128xi32, #tpu.memory_space<vmem>>) semaphore(%run_scoped3A : memref<!tpu.dma_semaphore, #tpu.memory_space<semaphore_mem>>) {add = true}
        %dma_wait3A_52 = arith.constant 0 : i32
        %dma_wait3A_53 = tpu.memref_slice %arg8[%scan3A_35, %dma_wait3A_52] : memref<79x128xi32, #tpu.memory_space<vmem>> -> memref<1x128xi32, #tpu.memory_space<vmem>>
        %dma_wait3A_54 = tpu.memref_squeeze %dma_wait3A_53 : memref<1x128xi32, #tpu.memory_space<vmem>> -> memref<128xi32, #tpu.memory_space<vmem>>
        %dma_wait3A_55 = arith.constant 0 : i32
        %dma_wait3A_56 = arith.constant 0 : i32
        %dma_wait3A_57 = tpu.memref_slice %arg6[%dma_wait3A_55, %dma_wait3A_56] : memref<10240x128xf32, #tpu.memory_space<vmem_shared>> -> memref<10240x128xf32, #tpu.memory_space<vmem_shared>>
        tpu.wait_indirect_dma semaphore(%run_scoped3A : memref<!tpu.dma_semaphore, #tpu.memory_space<semaphore_mem>>) src(%arg9 : memref<128x128xf32, #tpu.memory_space<vmem>>) dst(%dma_wait3A_57 : memref<10240x128xf32, #tpu.memory_space<vmem_shared>>)
        tpu.yield
      }) : () -> ()
    }
    %scan3A_31 = arith.constant 79 : i32
    %barrier3A_32 = arith.constant 0 : index
    tpu.barrier barrier_id(%barrier3A_32)
    %mul3A_33 = arith.constant 640 : i32
    %mul3A_34 = arith.muli %arg1, %mul3A_33 : i32
    "tpu.region"() ({
      %run_scoped3A = tpu.sem_alloc : memref<!tpu.dma_semaphore, #tpu.memory_space<semaphore_mem>>
      %dma_start3A = arith.constant 0 : i32
      %dma_start3A_35 = tpu.memref_slice %arg5[%arg0, %mul3A_34, %dma_start3A] : memref<2x10240x128xf32, #tpu.memory_space<hbm>> -> memref<1x640x128xf32, #tpu.memory_space<hbm>>
      %dma_start3A_36 = tpu.memref_squeeze %dma_start3A_35 : memref<1x640x128xf32, #tpu.memory_space<hbm>> -> memref<640x128xf32, #tpu.memory_space<hbm>>
      %dma_start3A_37 = arith.constant 0 : i32
      %dma_start3A_38 = tpu.memref_slice %arg6[%mul3A_34, %dma_start3A_37] : memref<10240x128xf32, #tpu.memory_space<vmem_shared>> -> memref<640x128xf32, #tpu.memory_space<vmem_shared>>
      tpu.enqueue_dma source(%dma_start3A_38 : memref<640x128xf32, #tpu.memory_space<vmem_shared>>) target(%dma_start3A_36 : memref<640x128xf32, #tpu.memory_space<hbm>>) target_semaphore(%run_scoped3A : memref<!tpu.dma_semaphore, #tpu.memory_space<semaphore_mem>>)
      %dma_wait3A = arith.constant 0 : i32
      %dma_wait3A_39 = tpu.memref_slice %arg5[%arg0, %mul3A_34, %dma_wait3A] : memref<2x10240x128xf32, #tpu.memory_space<hbm>> -> memref<1x640x128xf32, #tpu.memory_space<hbm>>
      %dma_wait3A_40 = tpu.memref_squeeze %dma_wait3A_39 : memref<1x640x128xf32, #tpu.memory_space<hbm>> -> memref<640x128xf32, #tpu.memory_space<hbm>>
      %dma_wait3A_41 = arith.constant 0 : i32
      %dma_wait3A_42 = tpu.memref_slice %arg6[%mul3A_34, %dma_wait3A_41] : memref<10240x128xf32, #tpu.memory_space<vmem_shared>> -> memref<640x128xf32, #tpu.memory_space<vmem_shared>>
      tpu.wait_dma2 semaphore(%run_scoped3A : memref<!tpu.dma_semaphore, #tpu.memory_space<semaphore_mem>>) src(%dma_wait3A_42 : memref<640x128xf32, #tpu.memory_space<vmem_shared>>) dst(%dma_wait3A_40 : memref<640x128xf32, #tpu.memory_space<hbm>>)
      tpu.yield
    }) : () -> ()
    return
  }
}

#map = affine_map<(d0, d1) -> (0, 0)>
#map1 = affine_map<(d0, d1) -> (0, 0, 0)>
module attributes {stable_mosaic.version = 14 : i64} {
  func.func @_edge_kernel(%arg0: i32, %arg1: i32, %arg2: memref<10240x128xf32, #tpu.memory_space<hbm>>, %arg3: memref<32x79x128xi32, #tpu.memory_space<hbm>>, %arg4: memref<32x79x128xi32, #tpu.memory_space<hbm>>, %arg5: memref<2x10240x128xf32, #tpu.memory_space<hbm>>, %arg6: memref<10240x128xf32, #tpu.memory_space<vmem_shared>>, %arg7: memref<79x128xi32, #tpu.memory_space<vmem>>, %arg8: memref<79x128xi32, #tpu.memory_space<vmem>>, %arg9: memref<128x128xf32, #tpu.memory_space<vmem>>, %arg10: memref<!tpu.dma_semaphore, #tpu.memory_space<semaphore_mem>>) attributes {dimension_semantics = [#tpu.dimension_semantics<core_parallel>, #tpu.dimension_semantics<subcore_parallel>], iteration_bounds = array<i64: 2, 16>, scalar_prefetch = 0 : i64, scratch_operands = 5 : i64, tpu.core_type = #tpu.core_type<sc_vector_subcore>, window_params = [{transform_indices = #map}, {transform_indices = #map1}, {transform_indices = #map1}, {transform_indices = #map1}]} {
    %mul3A = arith.constant 2 : i32
    %mul3A_0 = arith.muli %arg1, %mul3A : i32
    %add3A = arith.addi %mul3A_0, %arg0 : i32
    %scan3A = arith.constant 0 : i32
    %scan3A_1 = arith.constant 0 : i32
    %scan3A_2 = arith.constant 1024 : i32
    %scan3A_3 = arith.addi %scan3A_1, %scan3A_2 : i32
    %scan3A_4 = arith.constant 1 : i32
    scf.for %scan3A_35 = %scan3A_1 to %scan3A_3 step %scan3A_4  : i32 {
      %broadcast_in_dim3A = arith.constant 0.000000e+00 : f32
      %broadcast_in_dim3A_36 = vector.broadcast %broadcast_in_dim3A : f32 to vector<16xf32>
      %jit3A = arith.constant 8 : i32
      %div3A = arith.divsi %scan3A_35, %jit3A : i32
      %sign3A = arith.constant 0 : i32
      %sign3A_37 = arith.cmpi sgt, %scan3A_35, %sign3A : i32
      %sign3A_38 = arith.extui %sign3A_37 : i1 to i32
      %sign3A_39 = arith.constant 0 : i32
      %sign3A_40 = arith.cmpi slt, %scan3A_35, %sign3A_39 : i32
      %sign3A_41 = arith.extui %sign3A_40 : i1 to i32
      %sign3A_42 = arith.subi %sign3A_38, %sign3A_41 : i32
      %sign3A_43 = arith.constant 0 : i32
      %sign3A_44 = arith.cmpi sgt, %jit3A, %sign3A_43 : i32
      %sign3A_45 = arith.extui %sign3A_44 : i1 to i32
      %sign3A_46 = arith.constant 0 : i32
      %sign3A_47 = arith.cmpi slt, %jit3A, %sign3A_46 : i32
      %sign3A_48 = arith.extui %sign3A_47 : i1 to i32
      %sign3A_49 = arith.subi %sign3A_45, %sign3A_48 : i32
      %ne3A = arith.cmpi ne, %sign3A_42, %sign3A_49 : i32
      %rem3A = arith.remsi %scan3A_35, %jit3A : i32
      %ne3A_50 = arith.constant 0 : i32
      %ne3A_51 = arith.cmpi ne, %rem3A, %ne3A_50 : i32
      %and3A = arith.andi %ne3A, %ne3A_51 : i1
      %sub3A = arith.constant 1 : i32
      %sub3A_52 = arith.subi %div3A, %sub3A : i32
      %select_n3A = arith.select %and3A, %sub3A_52, %div3A : i32
      %jit3A_53 = arith.constant 8 : i32
      %eq3A = arith.constant 0 : i32
      %eq3A_54 = arith.cmpi eq, %jit3A_53, %eq3A : i32
      %jit3A_55 = arith.constant 1 : i32
      %select_n3A_56 = arith.select %eq3A_54, %jit3A_55, %jit3A_53 : i32
      %rem3A_57 = arith.remsi %scan3A_35, %select_n3A_56 : i32
      %ne3A_58 = arith.constant 0 : i32
      %ne3A_59 = arith.cmpi ne, %rem3A_57, %ne3A_58 : i32
      %lt3A = arith.constant 0 : i32
      %lt3A_60 = arith.cmpi slt, %rem3A_57, %lt3A : i32
      %lt3A_61 = arith.constant 0 : i32
      %lt3A_62 = arith.cmpi slt, %select_n3A_56, %lt3A_61 : i32
      %ne3A_63 = arith.xori %lt3A_60, %lt3A_62 : i1
      %and3A_64 = arith.andi %ne3A_63, %ne3A_59 : i1
      %add3A_65 = arith.addi %rem3A_57, %select_n3A_56 : i32
      %select_n3A_66 = arith.select %and3A_64, %add3A_65, %rem3A_57 : i32
      %mul3A_67 = arith.constant 16 : i32
      %mul3A_68 = arith.muli %select_n3A_66, %mul3A_67 : i32
      %swap3A = arith.index_cast %select_n3A : i32 to index
      %swap3A_69 = arith.index_cast %mul3A_68 : i32 to index
      %swap3A_70 = tpu.vector_load %arg9[%swap3A, %swap3A_69] {strides = array<i32>} : memref<128x128xf32, #tpu.memory_space<vmem>>, vector<1x16xf32>,
      %swap3A_71 = vector.shape_cast %swap3A_70 : vector<1x16xf32> to vector<16xf32>
      %swap3A_72 = vector.shape_cast %broadcast_in_dim3A_36 : vector<16xf32> to vector<1x16xf32>
      tpu.vector_store %arg9[%swap3A, %swap3A_69], %swap3A_72 {strides = array<i32>} : memref<128x128xf32, #tpu.memory_space<vmem>>, vector<1x16xf32>,
    }
    %scan3A_5 = arith.constant 1024 : i32
    %mul3A_6 = arith.constant 640 : i32
    %mul3A_7 = arith.muli %arg1, %mul3A_6 : i32
    %add3A_8 = arith.constant 0 : i32
    %add3A_9 = arith.addi %mul3A_7, %add3A_8 : i32
    "tpu.region"() ({
      %run_scoped3A = tpu.sem_alloc : memref<!tpu.dma_semaphore, #tpu.memory_space<semaphore_mem>>
      %dma_start3A = arith.constant 0 : i32
      %dma_start3A_35 = tpu.memref_slice %arg6[%add3A_9, %dma_start3A] : memref<10240x128xf32, #tpu.memory_space<vmem_shared>> -> memref<128x128xf32, #tpu.memory_space<vmem_shared>>
      %dma_start3A_36 = arith.constant 0 : i32
      %dma_start3A_37 = tpu.memref_slice %arg6[%add3A_9, %dma_start3A_36] : memref<10240x128xf32, #tpu.memory_space<vmem_shared>> -> memref<128x128xf32, #tpu.memory_space<vmem_shared>>
      tpu.enqueue_dma source(%arg9 : memref<128x128xf32, #tpu.memory_space<vmem>>) target(%dma_start3A_37 : memref<128x128xf32, #tpu.memory_space<vmem_shared>>) target_semaphore(%run_scoped3A : memref<!tpu.dma_semaphore, #tpu.memory_space<semaphore_mem>>)
      %dma_wait3A = arith.constant 0 : i32
      %dma_wait3A_38 = tpu.memref_slice %arg6[%add3A_9, %dma_wait3A] : memref<10240x128xf32, #tpu.memory_space<vmem_shared>> -> memref<128x128xf32, #tpu.memory_space<vmem_shared>>
      %dma_wait3A_39 = arith.constant 0 : i32
      %dma_wait3A_40 = tpu.memref_slice %arg6[%add3A_9, %dma_wait3A_39] : memref<10240x128xf32, #tpu.memory_space<vmem_shared>> -> memref<128x128xf32, #tpu.memory_space<vmem_shared>>
      tpu.wait_dma2 semaphore(%run_scoped3A : memref<!tpu.dma_semaphore, #tpu.memory_space<semaphore_mem>>) src(%arg9 : memref<128x128xf32, #tpu.memory_space<vmem>>) dst(%dma_wait3A_40 : memref<128x128xf32, #tpu.memory_space<vmem_shared>>)
      tpu.yield
    }) : () -> ()
    %mul3A_10 = arith.constant 640 : i32
    %mul3A_11 = arith.muli %arg1, %mul3A_10 : i32
    %add3A_12 = arith.constant 128 : i32
    %add3A_13 = arith.addi %mul3A_11, %add3A_12 : i32
    "tpu.region"() ({
      %run_scoped3A = tpu.sem_alloc : memref<!tpu.dma_semaphore, #tpu.memory_space<semaphore_mem>>
      %dma_start3A = arith.constant 0 : i32
      %dma_start3A_35 = tpu.memref_slice %arg6[%add3A_13, %dma_start3A] : memref<10240x128xf32, #tpu.memory_space<vmem_shared>> -> memref<128x128xf32, #tpu.memory_space<vmem_shared>>
      %dma_start3A_36 = arith.constant 0 : i32
      %dma_start3A_37 = tpu.memref_slice %arg6[%add3A_13, %dma_start3A_36] : memref<10240x128xf32, #tpu.memory_space<vmem_shared>> -> memref<128x128xf32, #tpu.memory_space<vmem_shared>>
      tpu.enqueue_dma source(%arg9 : memref<128x128xf32, #tpu.memory_space<vmem>>) target(%dma_start3A_37 : memref<128x128xf32, #tpu.memory_space<vmem_shared>>) target_semaphore(%run_scoped3A : memref<!tpu.dma_semaphore, #tpu.memory_space<semaphore_mem>>)
      %dma_wait3A = arith.constant 0 : i32
      %dma_wait3A_38 = tpu.memref_slice %arg6[%add3A_13, %dma_wait3A] : memref<10240x128xf32, #tpu.memory_space<vmem_shared>> -> memref<128x128xf32, #tpu.memory_space<vmem_shared>>
      %dma_wait3A_39 = arith.constant 0 : i32
      %dma_wait3A_40 = tpu.memref_slice %arg6[%add3A_13, %dma_wait3A_39] : memref<10240x128xf32, #tpu.memory_space<vmem_shared>> -> memref<128x128xf32, #tpu.memory_space<vmem_shared>>
      tpu.wait_dma2 semaphore(%run_scoped3A : memref<!tpu.dma_semaphore, #tpu.memory_space<semaphore_mem>>) src(%arg9 : memref<128x128xf32, #tpu.memory_space<vmem>>) dst(%dma_wait3A_40 : memref<128x128xf32, #tpu.memory_space<vmem_shared>>)
      tpu.yield
    }) : () -> ()
    %mul3A_14 = arith.constant 640 : i32
    %mul3A_15 = arith.muli %arg1, %mul3A_14 : i32
    %add3A_16 = arith.constant 256 : i32
    %add3A_17 = arith.addi %mul3A_15, %add3A_16 : i32
    "tpu.region"() ({
      %run_scoped3A = tpu.sem_alloc : memref<!tpu.dma_semaphore, #tpu.memory_space<semaphore_mem>>
      %dma_start3A = arith.constant 0 : i32
      %dma_start3A_35 = tpu.memref_slice %arg6[%add3A_17, %dma_start3A] : memref<10240x128xf32, #tpu.memory_space<vmem_shared>> -> memref<128x128xf32, #tpu.memory_space<vmem_shared>>
      %dma_start3A_36 = arith.constant 0 : i32
      %dma_start3A_37 = tpu.memref_slice %arg6[%add3A_17, %dma_start3A_36] : memref<10240x128xf32, #tpu.memory_space<vmem_shared>> -> memref<128x128xf32, #tpu.memory_space<vmem_shared>>
      tpu.enqueue_dma source(%arg9 : memref<128x128xf32, #tpu.memory_space<vmem>>) target(%dma_start3A_37 : memref<128x128xf32, #tpu.memory_space<vmem_shared>>) target_semaphore(%run_scoped3A : memref<!tpu.dma_semaphore, #tpu.memory_space<semaphore_mem>>)
      %dma_wait3A = arith.constant 0 : i32
      %dma_wait3A_38 = tpu.memref_slice %arg6[%add3A_17, %dma_wait3A] : memref<10240x128xf32, #tpu.memory_space<vmem_shared>> -> memref<128x128xf32, #tpu.memory_space<vmem_shared>>
      %dma_wait3A_39 = arith.constant 0 : i32
      %dma_wait3A_40 = tpu.memref_slice %arg6[%add3A_17, %dma_wait3A_39] : memref<10240x128xf32, #tpu.memory_space<vmem_shared>> -> memref<128x128xf32, #tpu.memory_space<vmem_shared>>
      tpu.wait_dma2 semaphore(%run_scoped3A : memref<!tpu.dma_semaphore, #tpu.memory_space<semaphore_mem>>) src(%arg9 : memref<128x128xf32, #tpu.memory_space<vmem>>) dst(%dma_wait3A_40 : memref<128x128xf32, #tpu.memory_space<vmem_shared>>)
      tpu.yield
    }) : () -> ()
    %mul3A_18 = arith.constant 640 : i32
    %mul3A_19 = arith.muli %arg1, %mul3A_18 : i32
    %add3A_20 = arith.constant 384 : i32
    %add3A_21 = arith.addi %mul3A_19, %add3A_20 : i32
    "tpu.region"() ({
      %run_scoped3A = tpu.sem_alloc : memref<!tpu.dma_semaphore, #tpu.memory_space<semaphore_mem>>
      %dma_start3A = arith.constant 0 : i32
      %dma_start3A_35 = tpu.memref_slice %arg6[%add3A_21, %dma_start3A] : memref<10240x128xf32, #tpu.memory_space<vmem_shared>> -> memref<128x128xf32, #tpu.memory_space<vmem_shared>>
      %dma_start3A_36 = arith.constant 0 : i32
      %dma_start3A_37 = tpu.memref_slice %arg6[%add3A_21, %dma_start3A_36] : memref<10240x128xf32, #tpu.memory_space<vmem_shared>> -> memref<128x128xf32, #tpu.memory_space<vmem_shared>>
      tpu.enqueue_dma source(%arg9 : memref<128x128xf32, #tpu.memory_space<vmem>>) target(%dma_start3A_37 : memref<128x128xf32, #tpu.memory_space<vmem_shared>>) target_semaphore(%run_scoped3A : memref<!tpu.dma_semaphore, #tpu.memory_space<semaphore_mem>>)
      %dma_wait3A = arith.constant 0 : i32
      %dma_wait3A_38 = tpu.memref_slice %arg6[%add3A_21, %dma_wait3A] : memref<10240x128xf32, #tpu.memory_space<vmem_shared>> -> memref<128x128xf32, #tpu.memory_space<vmem_shared>>
      %dma_wait3A_39 = arith.constant 0 : i32
      %dma_wait3A_40 = tpu.memref_slice %arg6[%add3A_21, %dma_wait3A_39] : memref<10240x128xf32, #tpu.memory_space<vmem_shared>> -> memref<128x128xf32, #tpu.memory_space<vmem_shared>>
      tpu.wait_dma2 semaphore(%run_scoped3A : memref<!tpu.dma_semaphore, #tpu.memory_space<semaphore_mem>>) src(%arg9 : memref<128x128xf32, #tpu.memory_space<vmem>>) dst(%dma_wait3A_40 : memref<128x128xf32, #tpu.memory_space<vmem_shared>>)
      tpu.yield
    }) : () -> ()
    %mul3A_22 = arith.constant 640 : i32
    %mul3A_23 = arith.muli %arg1, %mul3A_22 : i32
    %add3A_24 = arith.constant 512 : i32
    %add3A_25 = arith.addi %mul3A_23, %add3A_24 : i32
    "tpu.region"() ({
      %run_scoped3A = tpu.sem_alloc : memref<!tpu.dma_semaphore, #tpu.memory_space<semaphore_mem>>
      %dma_start3A = arith.constant 0 : i32
      %dma_start3A_35 = tpu.memref_slice %arg6[%add3A_25, %dma_start3A] : memref<10240x128xf32, #tpu.memory_space<vmem_shared>> -> memref<128x128xf32, #tpu.memory_space<vmem_shared>>
      %dma_start3A_36 = arith.constant 0 : i32
      %dma_start3A_37 = tpu.memref_slice %arg6[%add3A_25, %dma_start3A_36] : memref<10240x128xf32, #tpu.memory_space<vmem_shared>> -> memref<128x128xf32, #tpu.memory_space<vmem_shared>>
      tpu.enqueue_dma source(%arg9 : memref<128x128xf32, #tpu.memory_space<vmem>>) target(%dma_start3A_37 : memref<128x128xf32, #tpu.memory_space<vmem_shared>>) target_semaphore(%run_scoped3A : memref<!tpu.dma_semaphore, #tpu.memory_space<semaphore_mem>>)
      %dma_wait3A = arith.constant 0 : i32
      %dma_wait3A_38 = tpu.memref_slice %arg6[%add3A_25, %dma_wait3A] : memref<10240x128xf32, #tpu.memory_space<vmem_shared>> -> memref<128x128xf32, #tpu.memory_space<vmem_shared>>
      %dma_wait3A_39 = arith.constant 0 : i32
      %dma_wait3A_40 = tpu.memref_slice %arg6[%add3A_25, %dma_wait3A_39] : memref<10240x128xf32, #tpu.memory_space<vmem_shared>> -> memref<128x128xf32, #tpu.memory_space<vmem_shared>>
      tpu.wait_dma2 semaphore(%run_scoped3A : memref<!tpu.dma_semaphore, #tpu.memory_space<semaphore_mem>>) src(%arg9 : memref<128x128xf32, #tpu.memory_space<vmem>>) dst(%dma_wait3A_40 : memref<128x128xf32, #tpu.memory_space<vmem_shared>>)
      tpu.yield
    }) : () -> ()
    %barrier3A = arith.constant 0 : index
    tpu.barrier barrier_id(%barrier3A)
    "tpu.region"() ({
      %run_scoped3A = tpu.sem_alloc : memref<!tpu.dma_semaphore, #tpu.memory_space<semaphore_mem>>
      %dma_start3A = arith.constant 0 : i32
      %dma_start3A_35 = arith.constant 0 : i32
      %dma_start3A_36 = tpu.memref_slice %arg3[%add3A, %dma_start3A, %dma_start3A_35] : memref<32x79x128xi32, #tpu.memory_space<hbm>> -> memref<1x79x128xi32, #tpu.memory_space<hbm>>
      %dma_start3A_37 = tpu.memref_squeeze %dma_start3A_36 : memref<1x79x128xi32, #tpu.memory_space<hbm>> -> memref<79x128xi32, #tpu.memory_space<hbm>>
      %dma_start3A_38 = arith.constant 0 : i32
      %dma_start3A_39 = arith.constant 0 : i32
      %dma_start3A_40 = tpu.memref_slice %arg3[%add3A, %dma_start3A_38, %dma_start3A_39] : memref<32x79x128xi32, #tpu.memory_space<hbm>> -> memref<1x79x128xi32, #tpu.memory_space<hbm>>
      %dma_start3A_41 = tpu.memref_squeeze %dma_start3A_40 : memref<1x79x128xi32, #tpu.memory_space<hbm>> -> memref<79x128xi32, #tpu.memory_space<hbm>>
      tpu.enqueue_dma source(%dma_start3A_41 : memref<79x128xi32, #tpu.memory_space<hbm>>) target(%arg7 : memref<79x128xi32, #tpu.memory_space<vmem>>) target_semaphore(%run_scoped3A : memref<!tpu.dma_semaphore, #tpu.memory_space<semaphore_mem>>)
      %dma_wait3A = arith.constant 0 : i32
      %dma_wait3A_42 = arith.constant 0 : i32
      %dma_wait3A_43 = tpu.memref_slice %arg3[%add3A, %dma_wait3A, %dma_wait3A_42] : memref<32x79x128xi32, #tpu.memory_space<hbm>> -> memref<1x79x128xi32, #tpu.memory_space<hbm>>
      %dma_wait3A_44 = tpu.memref_squeeze %dma_wait3A_43 : memref<1x79x128xi32, #tpu.memory_space<hbm>> -> memref<79x128xi32, #tpu.memory_space<hbm>>
      %dma_wait3A_45 = arith.constant 0 : i32
      %dma_wait3A_46 = arith.constant 0 : i32
      %dma_wait3A_47 = tpu.memref_slice %arg3[%add3A, %dma_wait3A_45, %dma_wait3A_46] : memref<32x79x128xi32, #tpu.memory_space<hbm>> -> memref<1x79x128xi32, #tpu.memory_space<hbm>>
      %dma_wait3A_48 = tpu.memref_squeeze %dma_wait3A_47 : memref<1x79x128xi32, #tpu.memory_space<hbm>> -> memref<79x128xi32, #tpu.memory_space<hbm>>
      tpu.wait_dma2 semaphore(%run_scoped3A : memref<!tpu.dma_semaphore, #tpu.memory_space<semaphore_mem>>) src(%dma_wait3A_48 : memref<79x128xi32, #tpu.memory_space<hbm>>) dst(%arg7 : memref<79x128xi32, #tpu.memory_space<vmem>>)
      tpu.yield
    }) : () -> ()
    "tpu.region"() ({
      %run_scoped3A = tpu.sem_alloc : memref<!tpu.dma_semaphore, #tpu.memory_space<semaphore_mem>>
      %dma_start3A = arith.constant 0 : i32
      %dma_start3A_35 = arith.constant 0 : i32
      %dma_start3A_36 = tpu.memref_slice %arg4[%add3A, %dma_start3A, %dma_start3A_35] : memref<32x79x128xi32, #tpu.memory_space<hbm>> -> memref<1x79x128xi32, #tpu.memory_space<hbm>>
      %dma_start3A_37 = tpu.memref_squeeze %dma_start3A_36 : memref<1x79x128xi32, #tpu.memory_space<hbm>> -> memref<79x128xi32, #tpu.memory_space<hbm>>
      %dma_start3A_38 = arith.constant 0 : i32
      %dma_start3A_39 = arith.constant 0 : i32
      %dma_start3A_40 = tpu.memref_slice %arg4[%add3A, %dma_start3A_38, %dma_start3A_39] : memref<32x79x128xi32, #tpu.memory_space<hbm>> -> memref<1x79x128xi32, #tpu.memory_space<hbm>>
      %dma_start3A_41 = tpu.memref_squeeze %dma_start3A_40 : memref<1x79x128xi32, #tpu.memory_space<hbm>> -> memref<79x128xi32, #tpu.memory_space<hbm>>
      tpu.enqueue_dma source(%dma_start3A_41 : memref<79x128xi32, #tpu.memory_space<hbm>>) target(%arg8 : memref<79x128xi32, #tpu.memory_space<vmem>>) target_semaphore(%run_scoped3A : memref<!tpu.dma_semaphore, #tpu.memory_space<semaphore_mem>>)
      %dma_wait3A = arith.constant 0 : i32
      %dma_wait3A_42 = arith.constant 0 : i32
      %dma_wait3A_43 = tpu.memref_slice %arg4[%add3A, %dma_wait3A, %dma_wait3A_42] : memref<32x79x128xi32, #tpu.memory_space<hbm>> -> memref<1x79x128xi32, #tpu.memory_space<hbm>>
      %dma_wait3A_44 = tpu.memref_squeeze %dma_wait3A_43 : memref<1x79x128xi32, #tpu.memory_space<hbm>> -> memref<79x128xi32, #tpu.memory_space<hbm>>
      %dma_wait3A_45 = arith.constant 0 : i32
      %dma_wait3A_46 = arith.constant 0 : i32
      %dma_wait3A_47 = tpu.memref_slice %arg4[%add3A, %dma_wait3A_45, %dma_wait3A_46] : memref<32x79x128xi32, #tpu.memory_space<hbm>> -> memref<1x79x128xi32, #tpu.memory_space<hbm>>
      %dma_wait3A_48 = tpu.memref_squeeze %dma_wait3A_47 : memref<1x79x128xi32, #tpu.memory_space<hbm>> -> memref<79x128xi32, #tpu.memory_space<hbm>>
      tpu.wait_dma2 semaphore(%run_scoped3A : memref<!tpu.dma_semaphore, #tpu.memory_space<semaphore_mem>>) src(%dma_wait3A_48 : memref<79x128xi32, #tpu.memory_space<hbm>>) dst(%arg8 : memref<79x128xi32, #tpu.memory_space<vmem>>)
      tpu.yield
    }) : () -> ()
    %scan3A_26 = arith.constant 0 : i32
    %scan3A_27 = arith.constant 0 : i32
    %scan3A_28 = arith.constant 79 : i32
    %scan3A_29 = arith.addi %scan3A_27, %scan3A_28 : i32
    %scan3A_30 = arith.constant 1 : i32
    scf.for %scan3A_35 = %scan3A_27 to %scan3A_29 step %scan3A_30  : i32 {
      %dma_start3A = arith.constant 0 : i32
      %dma_start3A_36 = tpu.memref_slice %arg7[%scan3A_35, %dma_start3A] : memref<79x128xi32, #tpu.memory_space<vmem>> -> memref<1x128xi32, #tpu.memory_space<vmem>>
      %dma_start3A_37 = tpu.memref_squeeze %dma_start3A_36 : memref<1x128xi32, #tpu.memory_space<vmem>> -> memref<128xi32, #tpu.memory_space<vmem>>
      %dma_start3A_38 = arith.constant 0 : i32
      %dma_start3A_39 = arith.constant 0 : i32
      %dma_start3A_40 = tpu.memref_slice %arg2[%dma_start3A_38, %dma_start3A_39] : memref<10240x128xf32, #tpu.memory_space<hbm>> -> memref<10240x128xf32, #tpu.memory_space<hbm>>
      tpu.enqueue_indirect_dma source(%dma_start3A_40 : memref<10240x128xf32, #tpu.memory_space<hbm>>) target(%arg9 : memref<128x128xf32, #tpu.memory_space<vmem>>) offsets(%dma_start3A_37 : memref<128xi32, #tpu.memory_space<vmem>>) semaphore(%arg10 : memref<!tpu.dma_semaphore, #tpu.memory_space<semaphore_mem>>)
      %dma_wait3A = arith.constant 0 : i32
      %dma_wait3A_41 = tpu.memref_slice %arg7[%scan3A_35, %dma_wait3A] : memref<79x128xi32, #tpu.memory_space<vmem>> -> memref<1x128xi32, #tpu.memory_space<vmem>>
      %dma_wait3A_42 = tpu.memref_squeeze %dma_wait3A_41 : memref<1x128xi32, #tpu.memory_space<vmem>> -> memref<128xi32, #tpu.memory_space<vmem>>
      %dma_wait3A_43 = arith.constant 0 : i32
      %dma_wait3A_44 = arith.constant 0 : i32
      %dma_wait3A_45 = tpu.memref_slice %arg2[%dma_wait3A_43, %dma_wait3A_44] : memref<10240x128xf32, #tpu.memory_space<hbm>> -> memref<10240x128xf32, #tpu.memory_space<hbm>>
      tpu.wait_indirect_dma semaphore(%arg10 : memref<!tpu.dma_semaphore, #tpu.memory_space<semaphore_mem>>) src(%dma_wait3A_45 : memref<10240x128xf32, #tpu.memory_space<hbm>>) dst(%arg9 : memref<128x128xf32, #tpu.memory_space<vmem>>)
      "tpu.region"() ({
        %run_scoped3A = tpu.sem_alloc : memref<!tpu.dma_semaphore, #tpu.memory_space<semaphore_mem>>
        %dma_start3A_46 = arith.constant 0 : i32
        %dma_start3A_47 = tpu.memref_slice %arg8[%scan3A_35, %dma_start3A_46] : memref<79x128xi32, #tpu.memory_space<vmem>> -> memref<1x128xi32, #tpu.memory_space<vmem>>
        %dma_start3A_48 = tpu.memref_squeeze %dma_start3A_47 : memref<1x128xi32, #tpu.memory_space<vmem>> -> memref<128xi32, #tpu.memory_space<vmem>>
        %dma_start3A_49 = arith.constant 0 : i32
        %dma_start3A_50 = arith.constant 0 : i32
        %dma_start3A_51 = tpu.memref_slice %arg6[%dma_start3A_49, %dma_start3A_50] : memref<10240x128xf32, #tpu.memory_space<vmem_shared>> -> memref<10240x128xf32, #tpu.memory_space<vmem_shared>>
        tpu.enqueue_indirect_dma source(%arg9 : memref<128x128xf32, #tpu.memory_space<vmem>>) target(%dma_start3A_51 : memref<10240x128xf32, #tpu.memory_space<vmem_shared>>) offsets(%dma_start3A_48 : memref<128xi32, #tpu.memory_space<vmem>>) semaphore(%run_scoped3A : memref<!tpu.dma_semaphore, #tpu.memory_space<semaphore_mem>>) {add = true}
        %dma_wait3A_52 = arith.constant 0 : i32
        %dma_wait3A_53 = tpu.memref_slice %arg8[%scan3A_35, %dma_wait3A_52] : memref<79x128xi32, #tpu.memory_space<vmem>> -> memref<1x128xi32, #tpu.memory_space<vmem>>
        %dma_wait3A_54 = tpu.memref_squeeze %dma_wait3A_53 : memref<1x128xi32, #tpu.memory_space<vmem>> -> memref<128xi32, #tpu.memory_space<vmem>>
        %dma_wait3A_55 = arith.constant 0 : i32
        %dma_wait3A_56 = arith.constant 0 : i32
        %dma_wait3A_57 = tpu.memref_slice %arg6[%dma_wait3A_55, %dma_wait3A_56] : memref<10240x128xf32, #tpu.memory_space<vmem_shared>> -> memref<10240x128xf32, #tpu.memory_space<vmem_shared>>
        tpu.wait_indirect_dma semaphore(%run_scoped3A : memref<!tpu.dma_semaphore, #tpu.memory_space<semaphore_mem>>) src(%arg9 : memref<128x128xf32, #tpu.memory_space<vmem>>) dst(%dma_wait3A_57 : memref<10240x128xf32, #tpu.memory_space<vmem_shared>>)
        tpu.yield
      }) : () -> ()
    }
    %scan3A_31 = arith.constant 79 : i32
    %barrier3A_32 = arith.constant 0 : index
    tpu.barrier barrier_id(%barrier3A_32)
    %mul3A_33 = arith.constant 640 : i32
    %mul3A_34 = arith.muli %arg1, %mul3A_33 : i32
    "tpu.region"() ({
      %run_scoped3A = tpu.sem_alloc : memref<!tpu.dma_semaphore, #tpu.memory_space<semaphore_mem>>
      %dma_start3A = arith.constant 0 : i32
      %dma_start3A_35 = tpu.memref_slice %arg5[%arg0, %mul3A_34, %dma_start3A] : memref<2x10240x128xf32, #tpu.memory_space<hbm>> -> memref<1x640x128xf32, #tpu.memory_space<hbm>>
      %dma_start3A_36 = tpu.memref_squeeze %dma_start3A_35 : memref<1x640x128xf32, #tpu.memory_space<hbm>> -> memref<640x128xf32, #tpu.memory_space<hbm>>
      %dma_start3A_37 = arith.constant 0 : i32
      %dma_start3A_38 = tpu.memref_slice %arg6[%mul3A_34, %dma_start3A_37] : memref<10240x128xf32, #tpu.memory_space<vmem_shared>> -> memref<640x128xf32, #tpu.memory_space<vmem_shared>>
      tpu.enqueue_dma source(%dma_start3A_38 : memref<640x128xf32, #tpu.memory_space<vmem_shared>>) target(%dma_start3A_36 : memref<640x128xf32, #tpu.memory_space<hbm>>) target_semaphore(%run_scoped3A : memref<!tpu.dma_semaphore, #tpu.memory_space<semaphore_mem>>)
      %dma_wait3A = arith.constant 0 : i32
      %dma_wait3A_39 = tpu.memref_slice %arg5[%arg0, %mul3A_34, %dma_wait3A] : memref<2x10240x128xf32, #tpu.memory_space<hbm>> -> memref<1x640x128xf32, #tpu.memory_space<hbm>>
      %dma_wait3A_40 = tpu.memref_squeeze %dma_wait3A_39 : memref<1x640x128xf32, #tpu.memory_space<hbm>> -> memref<640x128xf32, #tpu.memory_space<hbm>>
      %dma_wait3A_41 = arith.constant 0 : i32
      %dma_wait3A_42 = tpu.memref_slice %arg6[%mul3A_34, %dma_wait3A_41] : memref<10240x128xf32, #tpu.memory_space<vmem_shared>> -> memref<640x128xf32, #tpu.memory_space<vmem_shared>>
      tpu.wait_dma2 semaphore(%run_scoped3A : memref<!tpu.dma_semaphore, #tpu.memory_space<semaphore_mem>>) src(%dma_wait3A_42 : memref<640x128xf32, #tpu.memory_space<vmem_shared>>) dst(%dma_wait3A_40 : memref<640x128xf32, #tpu.memory_space<hbm>>)
      tpu.yield
    }) : () -> ()
    return
  }
}

module attributes {stable_mosaic.version = 14 : i64} {
  func.func @_mm_scale_body(%arg0: i32, %arg1: memref<1024x128xf32, #tpu.memory_space<vmem>>, %arg2: memref<128x128xf32, #tpu.memory_space<vmem>>, %arg3: memref<1x128xf32, #tpu.memory_space<vmem>>, %arg4: memref<1024x16xf32, #tpu.memory_space<vmem>>, %arg5: memref<1024x16xf32, #tpu.memory_space<vmem>>, %arg6: memref<1024x128xf32, #tpu.memory_space<vmem>>) attributes {dimension_semantics = [#tpu.dimension_semantics<arbitrary>], iteration_bounds = array<i64: 10>, scalar_prefetch = 0 : i64, scratch_operands = 0 : i64, tpu.core_type = #tpu.core_type<tc>, window_params = [{transform_indices = @transform_0, window_bounds = array<i64: 1024, 128>}, {pipeline_mode = #tpu.pipeline_mode<synchronous>, transform_indices = @transform_1, window_bounds = array<i64: 128, 128>}, {pipeline_mode = #tpu.pipeline_mode<synchronous>, transform_indices = @transform_2, window_bounds = array<i64: 1, 128>}, {transform_indices = @transform_3, window_bounds = array<i64: 1024, 16>}, {transform_indices = @transform_4, window_bounds = array<i64: 1024, 16>}, {transform_indices = @transform_5, window_bounds = array<i64: 1024, 128>}]} {
    %get3A = arith.constant 0 : index
    %get3A_0 = arith.constant 0 : index
    %get3A_1 = vector.load %arg1[%get3A, %get3A_0] : memref<1024x128xf32, #tpu.memory_space<vmem>>, vector<1024x128xf32>
    %get3A_2 = arith.constant 0 : index
    %get3A_3 = arith.constant 0 : index
    %get3A_4 = vector.load %arg2[%get3A_2, %get3A_3] : memref<128x128xf32, #tpu.memory_space<vmem>>, vector<128x128xf32>
    %dot_general3A = arith.constant dense<0.000000e+00> : vector<1024x128xf32>
    %dot_general3A_5 = tpu.matmul %get3A_1, %get3A_4, %dot_general3A {dimension_numbers = #tpu.dot_dimension_numbers<[1], [0], [0], [1], [0, 0, 1, 1], [], []>, transpose_lhs_hint = false} : vector<1024x128xf32>, vector<128x128xf32>, vector<1024x128xf32> -> vector<1024x128xf32>
    %get3A_6 = arith.constant 0 : index
    %get3A_7 = arith.constant 0 : index
    %get3A_8 = vector.load %arg3[%get3A_6, %get3A_7] : memref<1x128xf32, #tpu.memory_space<vmem>>, vector<1x128xf32>
    %add3A = vector.broadcast %get3A_8 : vector<1x128xf32> to vector<1024x128xf32>
    %add3A_9 = arith.addf %dot_general3A_5, %add3A : vector<1024x128xf32>
    %get3A_10 = arith.constant 0 : index
    %get3A_11 = arith.constant 0 : index
    %get3A_12 = vector.load %arg4[%get3A_10, %get3A_11] : memref<1024x16xf32, #tpu.memory_space<vmem>>, vector<1024x16xf32>
    %slice3A = vector.extract_strided_slice %get3A_12 {offsets = [0, 0], sizes = [1024, 1], strides = [1, 1]} : vector<1024x16xf32> to vector<1024x1xf32>
    %get3A_13 = arith.constant 0 : index
    %get3A_14 = arith.constant 0 : index
    %get3A_15 = vector.load %arg5[%get3A_13, %get3A_14] : memref<1024x16xf32, #tpu.memory_space<vmem>>, vector<1024x16xf32>
    %slice3A_16 = vector.extract_strided_slice %get3A_15 {offsets = [0, 0], sizes = [1024, 1], strides = [1, 1]} : vector<1024x16xf32> to vector<1024x1xf32>
    %add3A_17 = arith.addf %slice3A, %slice3A_16 : vector<1024x1xf32>
    %add3A_18 = arith.constant 1.000000e+00 : f32
    %add3A_19 = vector.broadcast %add3A_18 : f32 to vector<1024x1xf32>
    %add3A_20 = arith.addf %add3A_17, %add3A_19 : vector<1024x1xf32>
    %rsqrt3A = math.rsqrt %add3A_20 : vector<1024x1xf32>
    %mul3A = vector.broadcast %rsqrt3A : vector<1024x1xf32> to vector<1024x128xf32>
    %mul3A_21 = arith.mulf %add3A_9, %mul3A : vector<1024x128xf32>
    %swap3A = arith.constant 0 : index
    %swap3A_22 = arith.constant 0 : index
    %swap3A_23 = vector.load %arg6[%swap3A, %swap3A_22] : memref<1024x128xf32, #tpu.memory_space<vmem>>, vector<1024x128xf32>
    tpu.vector_store %arg6[%swap3A, %swap3A_22], %mul3A_21 {strides = array<i32>} : memref<1024x128xf32, #tpu.memory_space<vmem>>, vector<1024x128xf32>,
    return
  }
  func.func @transform_0(%arg0: i32) -> (i32, i32) {
    %c0_i32 = arith.constant 0 : i32
    %c0_i32_0 = arith.constant 0 : i32
    return %arg0, %c0_i32 : i32, i32
  }
  func.func @transform_1(%arg0: i32) -> (i32, i32) {
    %c0_i32 = arith.constant 0 : i32
    %c0_i32_0 = arith.constant 0 : i32
    %c0_i32_1 = arith.constant 0 : i32
    return %c0_i32, %c0_i32_0 : i32, i32
  }
  func.func @transform_2(%arg0: i32) -> (i32, i32) {
    %c0_i32 = arith.constant 0 : i32
    %c0_i32_0 = arith.constant 0 : i32
    %c0_i32_1 = arith.constant 0 : i32
    return %c0_i32, %c0_i32_0 : i32, i32
  }
  func.func @transform_3(%arg0: i32) -> (i32, i32) {
    %c0_i32 = arith.constant 0 : i32
    %c0_i32_0 = arith.constant 0 : i32
    return %arg0, %c0_i32 : i32, i32
  }
  func.func @transform_4(%arg0: i32) -> (i32, i32) {
    %c0_i32 = arith.constant 0 : i32
    %c0_i32_0 = arith.constant 0 : i32
    return %arg0, %c0_i32 : i32, i32
  }
  func.func @transform_5(%arg0: i32) -> (i32, i32) {
    %c0_i32 = arith.constant 0 : i32
    %c0_i32_0 = arith.constant 0 : i32
    return %arg0, %c0_i32 : i32, i32
  }
}

module attributes {stable_mosaic.version = 14 : i64} {
  func.func @_final_body(%arg0: i32, %arg1: memref<1024x128xf32, #tpu.memory_space<vmem>>, %arg2: memref<1024x128xf32, #tpu.memory_space<vmem>>, %arg3: memref<1024x128xf32, #tpu.memory_space<vmem>>, %arg4: memref<1024x16xf32, #tpu.memory_space<vmem>>, %arg5: memref<1024x16xf32, #tpu.memory_space<vmem>>, %arg6: memref<1024x128xf32, #tpu.memory_space<vmem>>) attributes {dimension_semantics = [#tpu.dimension_semantics<arbitrary>], iteration_bounds = array<i64: 10>, scalar_prefetch = 0 : i64, scratch_operands = 0 : i64, tpu.core_type = #tpu.core_type<tc>, window_params = [{transform_indices = @transform_0, window_bounds = array<i64: 1024, 128>}, {transform_indices = @transform_1, window_bounds = array<i64: 1024, 128>}, {transform_indices = @transform_2, window_bounds = array<i64: 1024, 128>}, {transform_indices = @transform_3, window_bounds = array<i64: 1024, 16>}, {transform_indices = @transform_4, window_bounds = array<i64: 1024, 16>}, {transform_indices = @transform_5, window_bounds = array<i64: 1024, 128>}]} {
    %get3A = arith.constant 0 : index
    %get3A_0 = arith.constant 0 : index
    %get3A_1 = vector.load %arg1[%get3A, %get3A_0] : memref<1024x128xf32, #tpu.memory_space<vmem>>, vector<1024x128xf32>
    %get3A_2 = arith.constant 0 : index
    %get3A_3 = arith.constant 0 : index
    %get3A_4 = vector.load %arg2[%get3A_2, %get3A_3] : memref<1024x128xf32, #tpu.memory_space<vmem>>, vector<1024x128xf32>
    %add3A = arith.addf %get3A_1, %get3A_4 : vector<1024x128xf32>
    %get3A_5 = arith.constant 0 : index
    %get3A_6 = arith.constant 0 : index
    %get3A_7 = vector.load %arg3[%get3A_5, %get3A_6] : memref<1024x128xf32, #tpu.memory_space<vmem>>, vector<1024x128xf32>
    %add3A_8 = arith.addf %add3A, %get3A_7 : vector<1024x128xf32>
    %get3A_9 = arith.constant 0 : index
    %get3A_10 = arith.constant 0 : index
    %get3A_11 = vector.load %arg4[%get3A_9, %get3A_10] : memref<1024x16xf32, #tpu.memory_space<vmem>>, vector<1024x16xf32>
    %slice3A = vector.extract_strided_slice %get3A_11 {offsets = [0, 0], sizes = [1024, 1], strides = [1, 1]} : vector<1024x16xf32> to vector<1024x1xf32>
    %get3A_12 = arith.constant 0 : index
    %get3A_13 = arith.constant 0 : index
    %get3A_14 = vector.load %arg5[%get3A_12, %get3A_13] : memref<1024x16xf32, #tpu.memory_space<vmem>>, vector<1024x16xf32>
    %slice3A_15 = vector.extract_strided_slice %get3A_14 {offsets = [0, 0], sizes = [1024, 1], strides = [1, 1]} : vector<1024x16xf32> to vector<1024x1xf32>
    %add3A_16 = arith.addf %slice3A, %slice3A_15 : vector<1024x1xf32>
    %add3A_17 = arith.constant 1.000000e+00 : f32
    %add3A_18 = vector.broadcast %add3A_17 : f32 to vector<1024x1xf32>
    %add3A_19 = arith.addf %add3A_16, %add3A_18 : vector<1024x1xf32>
    %rsqrt3A = math.rsqrt %add3A_19 : vector<1024x1xf32>
    %mul3A = vector.broadcast %rsqrt3A : vector<1024x1xf32> to vector<1024x128xf32>
    %mul3A_20 = arith.mulf %add3A_8, %mul3A : vector<1024x128xf32>
    %swap3A = arith.constant 0 : index
    %swap3A_21 = arith.constant 0 : index
    %swap3A_22 = vector.load %arg6[%swap3A, %swap3A_21] : memref<1024x128xf32, #tpu.memory_space<vmem>>, vector<1024x128xf32>
    tpu.vector_store %arg6[%swap3A, %swap3A_21], %mul3A_20 {strides = array<i32>} : memref<1024x128xf32, #tpu.memory_space<vmem>>, vector<1024x128xf32>,
    return
  }
  func.func @transform_0(%arg0: i32) -> (i32, i32) {
    %c0_i32 = arith.constant 0 : i32
    %c0_i32_0 = arith.constant 0 : i32
    return %arg0, %c0_i32 : i32, i32
  }
  func.func @transform_1(%arg0: i32) -> (i32, i32) {
    %c0_i32 = arith.constant 0 : i32
    %c0_i32_0 = arith.constant 0 : i32
    return %arg0, %c0_i32 : i32, i32
  }
  func.func @transform_2(%arg0: i32) -> (i32, i32) {
    %c0_i32 = arith.constant 0 : i32
    %c0_i32_0 = arith.constant 0 : i32
    return %arg0, %c0_i32 : i32, i32
  }
  func.func @transform_3(%arg0: i32) -> (i32, i32) {
    %c0_i32 = arith.constant 0 : i32
    %c0_i32_0 = arith.constant 0 : i32
    return %arg0, %c0_i32 : i32, i32
  }
  func.func @transform_4(%arg0: i32) -> (i32, i32) {
    %c0_i32 = arith.constant 0 : i32
    %c0_i32_0 = arith.constant 0 : i32
    return %arg0, %c0_i32 : i32, i32
  }
  func.func @transform_5(%arg0: i32) -> (i32, i32) {
    %c0_i32 = arith.constant 0 : i32
    %c0_i32_0 = arith.constant 0 : i32
    return %arg0, %c0_i32 : i32, i32
  }
}

module attributes {stable_mosaic.version = 14 : i64} {
  func.func @_combine_mm_body(%arg0: i32, %arg1: memref<1024x128xf32, #tpu.memory_space<vmem>>, %arg2: memref<1024x128xf32, #tpu.memory_space<vmem>>, %arg3: memref<1024x128xf32, #tpu.memory_space<vmem>>, %arg4: memref<1024x16xf32, #tpu.memory_space<vmem>>, %arg5: memref<1024x16xf32, #tpu.memory_space<vmem>>, %arg6: memref<128x128xf32, #tpu.memory_space<vmem>>, %arg7: memref<1x128xf32, #tpu.memory_space<vmem>>, %arg8: memref<1024x128xf32, #tpu.memory_space<vmem>>) attributes {dimension_semantics = [#tpu.dimension_semantics<arbitrary>], iteration_bounds = array<i64: 10>, scalar_prefetch = 0 : i64, scratch_operands = 0 : i64, tpu.core_type = #tpu.core_type<tc>, window_params = [{transform_indices = @transform_0, window_bounds = array<i64: 1024, 128>}, {transform_indices = @transform_1, window_bounds = array<i64: 1024, 128>}, {transform_indices = @transform_2, window_bounds = array<i64: 1024, 128>}, {transform_indices = @transform_3, window_bounds = array<i64: 1024, 16>}, {transform_indices = @transform_4, window_bounds = array<i64: 1024, 16>}, {pipeline_mode = #tpu.pipeline_mode<synchronous>, transform_indices = @transform_5, window_bounds = array<i64: 128, 128>}, {pipeline_mode = #tpu.pipeline_mode<synchronous>, transform_indices = @transform_6, window_bounds = array<i64: 1, 128>}, {transform_indices = @transform_7, window_bounds = array<i64: 1024, 128>}]} {
    %get3A = arith.constant 0 : index
    %get3A_0 = arith.constant 0 : index
    %get3A_1 = vector.load %arg4[%get3A, %get3A_0] : memref<1024x16xf32, #tpu.memory_space<vmem>>, vector<1024x16xf32>
    %slice3A = vector.extract_strided_slice %get3A_1 {offsets = [0, 0], sizes = [1024, 1], strides = [1, 1]} : vector<1024x16xf32> to vector<1024x1xf32>
    %get3A_2 = arith.constant 0 : index
    %get3A_3 = arith.constant 0 : index
    %get3A_4 = vector.load %arg5[%get3A_2, %get3A_3] : memref<1024x16xf32, #tpu.memory_space<vmem>>, vector<1024x16xf32>
    %slice3A_5 = vector.extract_strided_slice %get3A_4 {offsets = [0, 0], sizes = [1024, 1], strides = [1, 1]} : vector<1024x16xf32> to vector<1024x1xf32>
    %add3A = arith.addf %slice3A, %slice3A_5 : vector<1024x1xf32>
    %add3A_6 = arith.constant 1.000000e+00 : f32
    %add3A_7 = vector.broadcast %add3A_6 : f32 to vector<1024x1xf32>
    %add3A_8 = arith.addf %add3A, %add3A_7 : vector<1024x1xf32>
    %rsqrt3A = math.rsqrt %add3A_8 : vector<1024x1xf32>
    %get3A_9 = arith.constant 0 : index
    %get3A_10 = arith.constant 0 : index
    %get3A_11 = vector.load %arg1[%get3A_9, %get3A_10] : memref<1024x128xf32, #tpu.memory_space<vmem>>, vector<1024x128xf32>
    %get3A_12 = arith.constant 0 : index
    %get3A_13 = arith.constant 0 : index
    %get3A_14 = vector.load %arg2[%get3A_12, %get3A_13] : memref<1024x128xf32, #tpu.memory_space<vmem>>, vector<1024x128xf32>
    %add3A_15 = arith.addf %get3A_11, %get3A_14 : vector<1024x128xf32>
    %get3A_16 = arith.constant 0 : index
    %get3A_17 = arith.constant 0 : index
    %get3A_18 = vector.load %arg3[%get3A_16, %get3A_17] : memref<1024x128xf32, #tpu.memory_space<vmem>>, vector<1024x128xf32>
    %add3A_19 = arith.addf %add3A_15, %get3A_18 : vector<1024x128xf32>
    %mul3A = vector.broadcast %rsqrt3A : vector<1024x1xf32> to vector<1024x128xf32>
    %mul3A_20 = arith.mulf %add3A_19, %mul3A : vector<1024x128xf32>
    %max3A = arith.constant 0.000000e+00 : f32
    %max3A_21 = vector.broadcast %max3A : f32 to vector<1024x128xf32>
    %max3A_22 = arith.maximumf %mul3A_20, %max3A_21 : vector<1024x128xf32>
    %get3A_23 = arith.constant 0 : index
    %get3A_24 = arith.constant 0 : index
    %get3A_25 = vector.load %arg6[%get3A_23, %get3A_24] : memref<128x128xf32, #tpu.memory_space<vmem>>, vector<128x128xf32>
    %dot_general3A = arith.constant dense<0.000000e+00> : vector<1024x128xf32>
    %dot_general3A_26 = tpu.matmul %max3A_22, %get3A_25, %dot_general3A {dimension_numbers = #tpu.dot_dimension_numbers<[1], [0], [0], [1], [0, 0, 1, 1], [], []>, transpose_lhs_hint = false} : vector<1024x128xf32>, vector<128x128xf32>, vector<1024x128xf32> -> vector<1024x128xf32>
    %get3A_27 = arith.constant 0 : index
    %get3A_28 = arith.constant 0 : index
    %get3A_29 = vector.load %arg7[%get3A_27, %get3A_28] : memref<1x128xf32, #tpu.memory_space<vmem>>, vector<1x128xf32>
    %add3A_30 = vector.broadcast %get3A_29 : vector<1x128xf32> to vector<1024x128xf32>
    %add3A_31 = arith.addf %dot_general3A_26, %add3A_30 : vector<1024x128xf32>
    %mul3A_32 = vector.broadcast %rsqrt3A : vector<1024x1xf32> to vector<1024x128xf32>
    %mul3A_33 = arith.mulf %add3A_31, %mul3A_32 : vector<1024x128xf32>
    %swap3A = arith.constant 0 : index
    %swap3A_34 = arith.constant 0 : index
    %swap3A_35 = vector.load %arg8[%swap3A, %swap3A_34] : memref<1024x128xf32, #tpu.memory_space<vmem>>, vector<1024x128xf32>
    tpu.vector_store %arg8[%swap3A, %swap3A_34], %mul3A_33 {strides = array<i32>} : memref<1024x128xf32, #tpu.memory_space<vmem>>, vector<1024x128xf32>,
    return
  }
  func.func @transform_0(%arg0: i32) -> (i32, i32) {
    %c0_i32 = arith.constant 0 : i32
    %c0_i32_0 = arith.constant 0 : i32
    return %arg0, %c0_i32 : i32, i32
  }
  func.func @transform_1(%arg0: i32) -> (i32, i32) {
    %c0_i32 = arith.constant 0 : i32
    %c0_i32_0 = arith.constant 0 : i32
    return %arg0, %c0_i32 : i32, i32
  }
  func.func @transform_2(%arg0: i32) -> (i32, i32) {
    %c0_i32 = arith.constant 0 : i32
    %c0_i32_0 = arith.constant 0 : i32
    return %arg0, %c0_i32 : i32, i32
  }
  func.func @transform_3(%arg0: i32) -> (i32, i32) {
    %c0_i32 = arith.constant 0 : i32
    %c0_i32_0 = arith.constant 0 : i32
    return %arg0, %c0_i32 : i32, i32
  }
  func.func @transform_4(%arg0: i32) -> (i32, i32) {
    %c0_i32 = arith.constant 0 : i32
    %c0_i32_0 = arith.constant 0 : i32
    return %arg0, %c0_i32 : i32, i32
  }
  func.func @transform_5(%arg0: i32) -> (i32, i32) {
    %c0_i32 = arith.constant 0 : i32
    %c0_i32_0 = arith.constant 0 : i32
    %c0_i32_1 = arith.constant 0 : i32
    return %c0_i32, %c0_i32_0 : i32, i32
  }
  func.func @transform_6(%arg0: i32) -> (i32, i32) {
    %c0_i32 = arith.constant 0 : i32
    %c0_i32_0 = arith.constant 0 : i32
    %c0_i32_1 = arith.constant 0 : i32
    return %c0_i32, %c0_i32_0 : i32, i32
  }
  func.func @transform_7(%arg0: i32) -> (i32, i32) {
    %c0_i32 = arith.constant 0 : i32
    %c0_i32_0 = arith.constant 0 : i32
    return %arg0, %c0_i32 : i32, i32
  }
}

</mosaic_0001>

<sc_bundles>
// kernel: kernel.11.cloned.1.call-start
scs
__scs_entry_jumppad:
0x0: {  	(pc) =	sbr.rel $0x88, $3  }
0x1: {  	(tag) =	ssettag $0x0;
	lr =	simm.s32 $0x1  }
0x2: {  	[smem:$0x3F9B] =	sst lr;
	_ =	strace $0xD0000000  }
0x3: {  	_ = 	snop  }
0x4: {  	_ = 	snop  }
0x5: {  	_ = 	snop  }
0x6: {  	_ = 	snop  }
0x7: {  	_ = 	snop  }
__scs_overlays_trampoline_lowered:
0x8: {  	[smem:$0x3FAA] =	sst s0  }
0x9: {  	[smem:$0x3FAB] =	sst s1  }
0xa: {  	[smem:$0x3FAC] =	sst s2  }
0xb: {  	[smem:$0x3FAD] =	sst s3  }
0xc: {  	[smem:$0x3FAE] =	sst s4  }
0xd: {  	[smem:$0x3FAF] =	sst s5  }
0xe: {  	[smem:$0x3FB0] =	sst s6  }
0xf: {  	[smem:$0x3FB1] =	sst s7  }
0x10: {  	[smem:$0x3FB2] =	sst s8  }
0x11: {  	[smem:$0x3FB3] =	sst s9;
	s0 =	simm.s32 @!p0 $0x0  }
0x12: {  	s1 =	sld [smem:$0x3F99];
	s0 =	simm.s32 @p0 $0x1  }
0x13: {  	[smem:$0x3FB4] =	sst s0;
	s0 =	simm.s32 @!p1 $0x0  }
0x14: {  	s2 =	sld [smem:$0x3F98];
	s0 =	simm.s32 @p1 $0x1  }
0x15: {  	[smem:$0x3FB5] =	sst s0;
	s0 =	simm.s32 @!p2 $0x0  }
0x16: {  	s3 =	sld [smem:$0x3FDB];
	s0 =	simm.s32 @p2 $0x1  }
0x17: {  	s4 =	simm.s32 $0x1BF5;
	[smem:$0x3FB7] =	sst s0  }
0x18: {  	s0 =	sld [smem:$0x3F9A];
	_ =	swait.ge [sflag:s4], $0x0  }
0x19: {  	s7 =	sld [smem:$0x3F9B]  }
0x1a: {  	s8 =	sadd.s32 $0xFFFFE003, lr  }
0x1b: {  	s9 =	sadd.s32 $0xFFFFFEF7, lr;
	s5 =	simm.s32 $0xFFFFFFFF;
	p2 =	slt.u32 s8, $0xFFFFF086  }
0x1c: {  	p1 =	slt.u32 s9, $0xF7A;
	s5 =	simm.s32 @!p2 $0x0  }
0x1d: {  	s5 =	simm.s32 @p1 $0x1;
	p0 =	seq.s32 s7, s2  }
0x1e: {  	s7 =	smul.u32 @!p0 $0xF7A, s2;
	p2 =	seq.s32 @!p0 s5, $0x0  }
0x1f: {  	s9 =	smul.u32 $0xF7A, s1;
	s8 =	simm.s32 @!p0 $0x1BF5;
	p2 =	por !p2, p0  }
0x20: {  	[sflag:s8] =	ssyncset.s32 @!p0 $0xFFFFF086;
	s6 =	sadd.s32 @!p0 s3, s7;
	s7 =	simm.s32 @!p0 $0x108  }
0x21: {  	s3 =	sadd.s32 s3, s9;
	s6 =	sadd.s32 @!p0 $0x88, s6;
	s7 =	simm.s32 @p2 $0x1082  }
0x22: {  	[simem:s7], [sflag:s8] =	dma.local @!p0 [hbm:s6], $0xF7A  }
0x23: {  	s9 =	sor.u32 $0xD0000000, s2;
	s6 =	simm.s32 $0x108;
	_ =	swait.ge @!p0 [sflag:s8], $0x0  }
0x24: {  	s3 =	sadd.s32 $0x88, s3;
	s6 =	simm.s32 @!p1 $0x1082;
	[sflag:s4] =	ssyncset.s32 $0xFFFFF086  }
0x25: {  	[simem:s6], [sflag:s4] =	dma.local [hbm:s3], $0xF7A  }
0x26: {  	[smem:$0x3F9B] =	sst s1;
	(tag) =	ssettag s2;
	_ =	strace s9  }
0x27: {  	s1 =	sld [smem:$0x3FAB]  }
0x28: {  	s2 =	sld [smem:$0x3FAC]  }
0x29: {  	s4 =	sld [smem:$0x3FAE]  }
0x2a: {  	p0 =	seq.s32 s5, $0x0;
	s5 =	sld [smem:$0x3FAF]  }
0x2b: {  	s6 =	sld [smem:$0x3FB0]  }
0x2c: {  	s7 =	sld [smem:$0x3FB1]  }
0x2d: {  	s3 =	simm.s32 $0x108;
	s8 =	sld [smem:$0x3FB2]  }
0x2e: {  	s3 =	simm.s32 @!p0 $0x1082;
	s9 =	sld [smem:$0x3FB3]  }
0x2f: {  	lr =	sadd.s32 s0, s3;
	s0 =	sld [smem:$0x3FAA]  }
0x30: {  	s3 =	sld [smem:$0x3FAD]  }
0x31: {  	[smem:$0x3FB6] =	sst s10  }
0x32: {  	s10 =	sld [smem:$0x3FB4];
	_ =	sdelay $0x3  }
0x33: {  	p0 =	seq.s32 s10, $0x1;
	s10 =	sld [smem:$0x3FB6];
	_ =	sdelay $0x3  }
0x34: {  	[smem:$0x3FB6] =	sst s10  }
0x35: {  	s10 =	sld [smem:$0x3FB5];
	_ =	sdelay $0x3  }
0x36: {  	p1 =	seq.s32 s10, $0x1;
	s10 =	sld [smem:$0x3FB6];
	_ =	sdelay $0x3  }
0x37: {  	[smem:$0x3FB6] =	sst s10  }
0x38: {  	s10 =	sld [smem:$0x3FB7]  }
0x39: {  	_ = 	snop;
	(pc) =	sbr.ind lr, $3  }
0x3a: {  	_ = 	snop  }
0x3b: {  	_ = 	snop  }
0x3c: {  	p2 =	seq.s32 s10, $0x1;
	s10 =	sld [smem:$0x3FB6]  }
0x3d: {  	_ =	shalt  }
0x3e: {  	_ =	shalt  }
0x3f: {  	_ =	shalt  }
0x40: {  	_ =	shalt  }
0x41: {  	_ =	shalt  }
0x42: {  	_ =	shalt  }
0x43: {  	_ =	shalt  }
0x44: {  	_ =	shalt  }
0x45: {  	_ =	shalt  }
0x46: {  	_ =	shalt  }
0x47: {  	_ =	shalt  }
0x48: {  	_ =	shalt  }
0x49: {  	_ =	shalt  }
0x4a: {  	_ =	shalt  }
0x4b: {  	_ =	shalt  }
0x4c: {  	_ =	shalt  }
0x4d: {  	_ =	shalt  }
0x4e: {  	_ =	shalt  }
0x4f: {  	_ =	shalt  }
0x50: {  	_ =	shalt  }
0x51: {  	_ =	shalt  }
0x52: {  	_ =	shalt  }
0x53: {  	_ =	shalt  }
0x54: {  	_ =	shalt  }
0x55: {  	_ =	shalt  }
0x56: {  	_ =	shalt  }
0x57: {  	_ =	shalt  }
0x58: {  	_ =	shalt  }
0x59: {  	_ =	shalt  }
0x5a: {  	_ =	shalt  }
0x5b: {  	_ =	shalt  }
0x5c: {  	_ =	shalt  }
0x5d: {  	_ =	shalt  }
0x5e: {  	_ =	shalt  }
0x5f: {  	_ =	shalt  }
0x60: {  	_ =	shalt  }
0x61: {  	_ =	shalt  }
0x62: {  	_ =	shalt  }
0x63: {  	_ =	shalt  }
0x64: {  	_ =	shalt  }
0x65: {  	_ =	shalt  }
0x66: {  	_ =	shalt  }
0x67: {  	_ =	shalt  }
0x68: {  	_ =	shalt  }
0x69: {  	_ =	shalt  }
0x6a: {  	_ =	shalt  }
0x6b: {  	_ =	shalt  }
0x6c: {  	_ =	shalt  }
0x6d: {  	_ =	shalt  }
0x6e: {  	_ =	shalt  }
0x6f: {  	_ =	shalt  }
0x70: {  	_ =	shalt  }
0x71: {  	_ =	shalt  }
0x72: {  	_ =	shalt  }
0x73: {  	_ =	shalt  }
0x74: {  	_ =	shalt  }
0x75: {  	_ =	shalt  }
0x76: {  	_ =	shalt  }
0x77: {  	_ =	shalt  }
0x78: {  	_ =	shalt  }
0x79: {  	_ =	shalt  }
0x7a: {  	_ =	shalt  }
0x7b: {  	_ =	shalt  }
0x7c: {  	_ =	shalt  }
0x7d: {  	_ =	shalt  }
0x7e: {  	_ =	shalt  }
0x7f: {  	_ =	shalt  }
0x80: {  	_ =	shalt  }
0x81: {  	_ =	shalt  }
0x82: {  	_ =	shalt  }
0x83: {  	_ =	shalt  }
0x84: {  	_ =	shalt  }
0x85: {  	_ =	shalt  }
0x86: {  	_ =	shalt  }
0x87: {  	_ =	shalt  }
.Lfunc_end0:
.L_simem_size_0:
called_computation.1_lowered:
.L_overlay_start_0:
0x88: {  	s2 =	sld [smem:$0x3FD9]  }
0x89: {  	s3 =	sld [smem:$0x3FFE];
	_ =	sdelay $0x1  }
0x8a: {  	s1 =	srdreg.scid  }
0x8b: {  	s0 =	sand.u32 $0x1, s1  }
0x8c: {  	s17 =	sshll.u32 s0, $0xA;
	s2 =	sadd.s32 s3, s2  }
0x8d: {  	s2 =	sadd.s32 s2, s17  }
0x8e: {  	[smem:$0x3FC2] =	sst s2  }
0x8f: {  	_ = 	snop  }
0x90: {  	s2 =	sld [smem:$0x3FD0];
	(tm) =	ssettm $0x1  }
0x91: {  	s18 =	sld [smem:$0x3FFB];
	_ =	sdelay $0x3  }
0x92: {  	_ =	strace s18  }
0x93: {  	s3 =	sld [smem:$0x3FFC];
	_ =	sdelay $0x3  }
0x94: {  	_ =	strace s3  }
0x95: {  	s3 =	sld [smem:$0x3FFD];
	_ =	sdelay $0x3  }
0x96: {  	_ =	strace s3  }
0x97: {  	_ =	strace $0x8FFFFFFF  }
0x98: {  	s19 =	sld [smem:$0x3FDB];
	_ =	sdelay $0x1  }
0x99: {  	s4 =	simm.s32 $_scs_section_size  }
0x9a: {  	s5 =	simm.s32 $_size__tile_overlayer_lowered;
	s6 =	simm.s32 $_tile_overlayer_lowered  }
0x9b: {  	s22 =	simm.s32 $0x1BFF;
	s21 =	sshll.u32 s6, $0x1;
	s3 =	sadd.s32 s4, s19  }
0x9c: {  	s7 =	simm.s32 $0x0;
	s20 =	sshll.u32 s5, $0x1;
	s5 =	sadd.s32 s21, s3  }
0x9d: {  	[timem:s7], [sflag:s22] =	dma.local [hbm:s5], s20  }
0x9e: {  	_ =	swait.ge [sflag:s22], s20  }
0x9f: {  	s4 =	ssub.s32 $0x0, s20;
	[sflag:s22] =	ssyncset.done $0x0  }
0xa0: {  	[sflag:s22] =	ssyncadd.s32 s4;
	_ =	sdelay $0x1  }
0xa1: {  	s23 =	simm.s32 $0x1B8B  }
0xa2: {  	_ =	swait.ge [sflag:s23], $0x1  }
0xa3: {  	[sflag:s23] =	ssyncset.done $0x0  }
0xa4: {  	s25 =	simm.s32 $0x1B8E;
	s24 =	sld [smem:$0x3FFE];
	[sflag:s23] =	ssyncadd.s32 $0xFFFFFFFF  }
0xa5: {  	s26 =	simm.s32 $execute0_lowered;
	[smem:$0x3FD2] =	sst s25  }
0xa6: {  	s5 =	sshll.u32 s26, $0x1;
	_ =	strace $0x80000049;
	[dreg:$0x1] =	wrdreg $0xFFFFFFFF  }
0xa7: {  	s28 =	simm.s32 $_size_execute0_lowered;
	s3 =	sadd.s32 s3, s5;
	[dreg:$0x0] =	wrdreg $0x0  }
0xa8: {  	s5 =	sshll.u32 s28, $0x1;
	[dreg:$0x2] =	wrdreg s3  }
0xa9: {  	[dreg:$0x3] =	wrdreg s5  }
0xaa: {  	[dreg:$0x4] =	wrdreg $0xC0  }
0xab: {  	_ =	task [dreg:s7], $0x5FFFF  }
0xac: {  	[dreg:$0x1] =	wrdreg $0xFFFFFFFF  }
0xad: {  	[dreg:$0x0] =	wrdreg $0x60  }
0xae: {  	[dreg:$0x2] =	wrdreg s24  }
0xaf: {  	[dreg:$0x3] =	wrdreg s2  }
0xb0: {  	[dreg:$0x4] =	wrdreg $0x0  }
0xb1: {  	[dreg:$0x5] =	wrdreg $0x9  }
0xb2: {  	_ =	task.clear_ibuf [dreg:s7], $0x6FFFF;
	_ =	strace $0x90000049  }
0xb3: {  	s29 =	simm.s32 $0x9;
	_ =	strace $0x8000004B  }
0xb4: {  	_ =	swait.ge [sflag:s29], $0x1  }
0xb5: {  	[sflag:s29] =	ssyncadd.s32 $0xFFFFFFFF  }
0xb6: {  	_ =	strace $0x9000004B  }
0xb7: {  	_ =	sfence  }
0xb8: {  	s30 =	sld [smem:$0x0];
	_ =	sdelay $0x2  }
0xb9: {  	s31 =	sshll.u32 s1, $0xD;
	s1 =	sshrl.u32 s1, $0x2  }
0xba: {  	s3 =	sand.u32 $0x4000, s31;
	s1 =	sadd.s32 s1, s30  }
0xbb: {  	s0 =	sor.u32 s3, s0;
	s1 =	sshll.u32 s1, $0x11  }
0xbc: {  	s0 =	sor.u32 s1, s0  }
0xbd: {  	s0 =	sadd.s32 $0x8F2B, s0  }
0xbe: {  	[sflag:s0] =	ssyncadd.remote.s32 $0x1  }
0xbf: {  	_ =	sfence.sel $0xFFFF  }
0xc0: {  	[dreg:$0x0] =	wrdreg $0xFFFFFFFF;
	(pc) =	sbr.abs _section_cstart, $3  }
0xc1: {  	[dreg:$0x1] =	wrdreg $0xFFFFFFFF  }
0xc2: {  	_ =	task.clear_ibuf [dreg:s7], $0x2FFFF;
	_ =	strace $0x9FFFFFFF  }
0xc3: {  	(tm) =	ssettm $0x7FFFFFFF  }
tec
execute0_lowered:
.L_overlay_start_1:
0x0: {  	(tag) =	ssettag $0x1  }
0x1: {  	s1 =	srdreg.scid;
	s5 =	rddreg [dreg:$0x0]  }
0x2: {  	s0 =	stileid.u32;
	s10 =	rddreg [dreg:$0x1]  }
0x3: {  	s2 =	rddreg [dreg:$0x2];
	s3 =	simm.s32 $0x0;
	s15 =	simm.s32 $0x2  }
0x4: {  	s16 =	simm.s32 $0x14000;
	s17 =	simm.s32 $0x16800;
	s18 =	simm.s32 $0x80  }
0x5: {  	s19 =	simm.s32 $0x1;
	s21 =	simm.s32 $0x0;
	s6 =	sand.u32 $0x1, s1  }
0x6: {  	s29 =	sshll.u32 s0, $0x1;
	[smem:$0x7FF] =	sst s3;
	s8 =	smul.u32 $0x14000, s0  }
0x7: {  	s9 =	smul.u32 $0x50000, s0;
	s4 =	sadd.s32 $0x5CC00, s5;
	s20 =	sshll.u32 s0, $0x6  }
0x8: {  	s1 =	sor.u32 s6, s29;
	s7 =	smul.u32 $0x140000, s6;
	s6 =	ssub.s32 $0x2, s6  }
0x9: {  	s20 =	sor.u32 $0x1C02, s20;
	s11 =	smul.u32 $0x500, s1;
	s1 =	rddreg [dreg:$0x3]  }
0xa: {  	_ =	strace $0x8000004A;
	s31 =	sshrl.u32 s6, $0x1;
	s7 =	sadd.s32 s8, s7  }
0xb: {  	s30 =	sshrl.u32 s9, $0x2;
	s14 =	ssub.s32 s6, s31;
	s7 =	sshrl.u32 s7, $0x3  }
0xc: {  	s12 =	sadd.s32 s11, s5;
	s13 =	sadd.s32 s7, s5;
	s5 =	sadd.s32 s30, s2  }
0xd: {  	s10 =	sadd.s32 s10, s11;
	s11 =	sadd.s32 $0x2C00, s12;
	s6 =	sadd.s32 $0x4000, s5  }
0xe: {  	s7 =	sadd.s32 $0x8000, s5;
	s8 =	sadd.s32 $0xC000, s5;
	s9 =	sadd.s32 $0x10000, s5  }
0xf: {  	v0 =	vimm.f32 $0.0e+00;
	s12 =	sadd.s32 $0x84C00, s13;
	s13 =	smax.u32 s14, $0x1;
	s14 =	simm.s32 $0x19000  }
.LBB2_1:
0x10: {  	s22 =	sand.u32 $0xFE00, s3  }
0x11: {  	s23 =	sand.u32 $0x70, s3;
	s24 =	sshrl.u32 s22, $0x2  }
0x12: {  	s22 =	simm.s32 $0x40;
	s24 =	sor.u32 s23, s24;
	s23 =	simm.s32 $0x0  }
.LBB2_2:
0x13: {  	p0 =	sne.s32 s22, $0xFFC0  }
0x14: {  	[tilespmem:s24+$0x19000] =	vst v0;
	s23 =	sadd.s32 $0x10, s23;
	s24 =	smov.u32 s22;
	s22 =	sadd.s32 $0x40, s22  }
.Ltmp0:
0x15: {  	(pc) =	sbr.rel @p0 .LBB2_2-.Ltmp0, $4  }
0x16: {  	_ = 	snop  }
0x17: {  	s24 =	sand.u32 $0xFE00, s24  }
0x18: {  	s25 =	sand.u32 $0x70, s23;
	s24 =	sshrl.u32 s24, $0x2  }
0x19: {  	s24 =	sor.u32 s25, s24  }
0x1a: {  	[tilespmem:s24+$0x19000] =	vst v0  }
0x1b: {  	[spmem:s5] =	stream.linear.scatter [tilespmem:s14], [sflag:$0x2], $0x4000, $0x38;
	[tilespmem:$0x1D000] =	vst v63  }
0x1c: {  	_ =	swait.ge [sflag:s15], $0x4000  }
0x1d: {  	[sflag:s15] =	ssyncset.done $0x0  }
0x1e: {  	[sflag:s15] =	ssyncadd.s32 $0xFFFFC000  }
0x1f: {  	[spmem:s6] =	stream.linear.scatter [tilespmem:s14], [sflag:$0x2], $0x4000, $0x38;
	[tilespmem:$0x1D000] =	vst v63  }
0x20: {  	_ =	swait.ge [sflag:s15], $0x4000  }
0x21: {  	[sflag:s15] =	ssyncset.done $0x0  }
0x22: {  	[sflag:s15] =	ssyncadd.s32 $0xFFFFC000  }
0x23: {  	[spmem:s7] =	stream.linear.scatter [tilespmem:s14], [sflag:$0x2], $0x4000, $0x38;
	[tilespmem:$0x1D000] =	vst v63  }
0x24: {  	_ =	swait.ge [sflag:s15], $0x4000  }
0x25: {  	[sflag:s15] =	ssyncset.done $0x0  }
0x26: {  	[sflag:s15] =	ssyncadd.s32 $0xFFFFC000  }
0x27: {  	[spmem:s8] =	stream.linear.scatter [tilespmem:s14], [sflag:$0x2], $0x4000, $0x38;
	[tilespmem:$0x1D000] =	vst v63  }
0x28: {  	_ =	swait.ge [sflag:s15], $0x4000  }
0x29: {  	[sflag:s15] =	ssyncset.done $0x0  }
0x2a: {  	[sflag:s15] =	ssyncadd.s32 $0xFFFFC000  }
0x2b: {  	[spmem:s9] =	stream.linear.scatter [tilespmem:s14], [sflag:$0x2], $0x4000, $0x38;
	[tilespmem:$0x1D000] =	vst v63  }
0x2c: {  	_ =	swait.ge [sflag:s15], $0x4000  }
0x2d: {  	[sflag:s15] =	ssyncset.done $0x0  }
0x2e: {  	[sflag:s15] =	ssyncadd.s32 $0xFFFFC000  }
0x2f: {  	s22 =	simm.s32 $0x0;
	[bflag:$0x0] =	sbarrier.arrive $0xFFFF  }
0x30: {  	[tilespmem:s16], [sflag:$0x2] =	stream.linear.gather [hbm4b:s10+s22], $0x2780, $0x38;
	[tilespmem:$0x1D000] =	vst v63  }
0x31: {  	_ =	swait.ge [sflag:s15], $0x2780  }
0x32: {  	[sflag:s15] =	ssyncset.done $0x0  }
0x33: {  	[sflag:s15] =	ssyncadd.s32 $0xFFFFD880  }
0x34: {  	[tilespmem:s17], [sflag:$0x2] =	stream.linear.gather [hbm4b:s11+s22], $0x2780, $0x38;
	[tilespmem:$0x1D000] =	vst v63  }
0x35: {  	_ =	swait.ge [sflag:s15], $0x2780  }
0x36: {  	[sflag:s15] =	ssyncset.done $0x0  }
0x37: {  	s30 =	simm.s32 $0x14000;
	[sflag:s15] =	ssyncadd.s32 $0xFFFFD880  }
0x38: {  	[tilespmem:s14], [sflag:$0x1] =	stream.indirect.gather [hbm4b:s4+s18], $0x80, s30, s18, $0xb8;
	[tilespmem:$0x1D000] =	vst v63  }
0x39: {  	_ =	swait.ge [sflag:s19], $0x4000  }
0x3a: {  	[sflag:s19] =	ssyncset.done $0x0  }
0x3b: {  	s31 =	simm.s32 $0x16800;
	[sflag:s19] =	ssyncadd.s32 $0xFFFFC000  }
0x3c: {  	[spmem:s2] =	stream.indirect.scatter.add.f32 [tilespmem:s14], [sflag:$0x2], $0x80, s31, s18, $0xb8;
	[tilespmem:$0x1D000] =	vst v63  }
0x3d: {  	_ =	swait.ge [sflag:s15], $0x4000  }
0x3e: {  	s23 =	simm.s32 $0x400;
	s22 =	simm.s32 $0x80;
	[sflag:s15] =	ssyncset.done $0x0  }
.LBB2_4:
0x3f: {  	s24 =	sadd.s32 $0x14000, s22  }
0x40: {  	[sflag:s15] =	ssyncadd.s32 $0xFFFFC000;
	s25 =	smov.u32 s23;
	s26 =	sadd.s32 $0x200, s23  }
0x41: {  	[tilespmem:s14], [sflag:$0x1] =	stream.indirect.gather [hbm4b:s4+s18], $0x80, s24, s18, $0xb8;
	[tilespmem:$0x1D000] =	vst v63  }
0x42: {  	p0 =	sne.s32 s23, $0x9C00;
	_ =	swait.ge [sflag:s19], $0x4000  }
.Ltmp1:
0x43: {  	[sflag:s19] =	ssyncset.done $0x0;
	(pc) =	sbr.rel @p0 .LBB2_4-.Ltmp1, $4  }
0x44: {  	s22 =	sadd.s32 $0x16800, s22;
	[sflag:s19] =	ssyncadd.s32 $0xFFFFC000  }
0x45: {  	[spmem:s2] =	stream.indirect.scatter.add.f32 [tilespmem:s14], [sflag:$0x2], $0x80, s22, s18, $0xb8;
	[tilespmem:$0x1D000] =	vst v63  }
0x46: {  	_ =	swait.ge [sflag:s15], $0x4000  }
0x47: {  	s23 =	smov.u32 s26;
	s22 =	sshra.s32 s25, $0x2;
	[sflag:s15] =	ssyncset.done $0x0  }
0x48: {  	s23 =	sadd.s32 $0x14000, s22;
	[sflag:s15] =	ssyncadd.s32 $0xFFFFC000  }
0x49: {  	[tilespmem:s14], [sflag:$0x1] =	stream.indirect.gather [hbm4b:s4+s18], $0x80, s23, s18, $0xb8;
	[tilespmem:$0x1D000] =	vst v63  }
0x4a: {  	_ =	swait.ge [sflag:s19], $0x4000  }
0x4b: {  	[sflag:s19] =	ssyncset.done $0x0  }
0x4c: {  	s30 =	sadd.s32 $0x16800, s22;
	[sflag:s19] =	ssyncadd.s32 $0xFFFFC000  }
0x4d: {  	[spmem:s2] =	stream.indirect.scatter.add.f32 [tilespmem:s14], [sflag:$0x2], $0x80, s30, s18, $0xb8;
	[tilespmem:$0x1D000] =	vst v63  }
0x4e: {  	_ =	swait.ge [sflag:s15], $0x4000  }
0x4f: {  	s21 =	sadd.s32 $0x1, s21;
	[sflag:s15] =	ssyncset.done $0x0  }
0x50: {  	p0 =	sne.s32 s21, s13;
	[sflag:s15] =	ssyncadd.s32 $0xFFFFC000  }
.Ltmp2:
0x51: {  	s31 =	sshrl.u32 s5, $0x3;
	[bflag:$0x0] =	sbarrier.arrive $0xFFFF;
	(pc) =	sbr.rel @p0 .LBB2_1-.Ltmp2, $4  }
0x52: {  	[hbm:s12], [sflag:s20] =	dma.local [spmem:s31], $0x2800  }
0x53: {  	_ =	swait.ge [sflag:s15], $0x2800  }
0x54: {  	[sflag:s15] =	ssyncset.done $0x0  }
0x55: {  	[sflag:s15] =	ssyncadd.s32 $0xFFFFD800  }
0x56: {  	_ =	sfence.sel $0x180000  }
0x57: {  	[bflag:$0x0] =	sbarrier.arrive $0xFFFF  }
0x58: {  	p0 =	sne.s32 s0, $0x0;
	_ =	strace $0x9000004A  }
0x59: {  	s0 =	sadd.s32 @!p0 $0x100000, s1;
	[bflag:$0x2] =	sbarrier.arrive $0xFFFF  }
0x5a: {  	[sflag:s0] =	ssyncadd.tile.s32 @!p0 $0x1;
	_ =	shalt  }
.Lfunc_end2:
_tile_overlayer_lowered:
.L_overlay_start_2:
0x5b: {  	(tag) =	ssettag $0x2  }
0x5c: {  	s0 =	rddreg [dreg:$0x0];
	s2 =	stileid.u32  }
0x5d: {  	s1 =	rddreg [dreg:$0x1];
	p0 =	sne.s32 s2, $0x0  }
0x5e: {  	s3 =	rddreg [dreg:$0x2];
	[bflag:$0x3] =	sbarrier.arrive $0xFFFF;
	s2 =	simm.s32 @!p0 $0x1C02  }
0x5f: {  	[timem:s3], [sflag:s2] =	dma.local @!p0 [hbm:s0], s1  }
0x60: {  	s0 =	simm.s32 @!p0 $0x2  }
0x61: {  	_ =	swait.ge @!p0 [sflag:s0], s1  }
0x62: {  	s1 =	ssub.s32 @!p0 $0x0, s1;
	[sflag:s0] =	ssyncset.done @!p0 $0x0  }
0x63: {  	[sflag:s0] =	ssyncadd.s32 @!p0 s1  }
0x64: {  	[bflag:$0x3] =	sbarrier.arrive $0xFFFF  }
0x65: {  	_ =	shalt  }

// kernel: kernel.14.cloned.1.call-start
scs
__scs_entry_jumppad:
0x0: {  	(pc) =	sbr.rel $0x88, $3  }
0x1: {  	(tag) =	ssettag $0x0;
	lr =	simm.s32 $0x1  }
0x2: {  	[smem:$0x3F9B] =	sst lr;
	_ =	strace $0xD0000000  }
0x3: {  	_ = 	snop  }
0x4: {  	_ = 	snop  }
0x5: {  	_ = 	snop  }
0x6: {  	_ = 	snop  }
0x7: {  	_ = 	snop  }
__scs_overlays_trampoline_lowered:
0x8: {  	[smem:$0x3FAA] =	sst s0  }
0x9: {  	[smem:$0x3FAB] =	sst s1  }
0xa: {  	[smem:$0x3FAC] =	sst s2  }
0xb: {  	[smem:$0x3FAD] =	sst s3  }
0xc: {  	[smem:$0x3FAE] =	sst s4  }
0xd: {  	[smem:$0x3FAF] =	sst s5  }
0xe: {  	[smem:$0x3FB0] =	sst s6  }
0xf: {  	[smem:$0x3FB1] =	sst s7  }
0x10: {  	[smem:$0x3FB2] =	sst s8  }
0x11: {  	[smem:$0x3FB3] =	sst s9;
	s0 =	simm.s32 @!p0 $0x0  }
0x12: {  	s1 =	sld [smem:$0x3F99];
	s0 =	simm.s32 @p0 $0x1  }
0x13: {  	[smem:$0x3FB4] =	sst s0;
	s0 =	simm.s32 @!p1 $0x0  }
0x14: {  	s2 =	sld [smem:$0x3F98];
	s0 =	simm.s32 @p1 $0x1  }
0x15: {  	[smem:$0x3FB5] =	sst s0;
	s0 =	simm.s32 @!p2 $0x0  }
0x16: {  	s3 =	sld [smem:$0x3FDB];
	s0 =	simm.s32 @p2 $0x1  }
0x17: {  	s4 =	simm.s32 $0x1BF5;
	[smem:$0x3FB7] =	sst s0  }
0x18: {  	s0 =	sld [smem:$0x3F9A];
	_ =	swait.ge [sflag:s4], $0x0  }
0x19: {  	s7 =	sld [smem:$0x3F9B]  }
0x1a: {  	s8 =	sadd.s32 $0xFFFFE003, lr  }
0x1b: {  	s9 =	sadd.s32 $0xFFFFFEF7, lr;
	s5 =	simm.s32 $0xFFFFFFFF;
	p2 =	slt.u32 s8, $0xFFFFF086  }
0x1c: {  	p1 =	slt.u32 s9, $0xF7A;
	s5 =	simm.s32 @!p2 $0x0  }
0x1d: {  	s5 =	simm.s32 @p1 $0x1;
	p0 =	seq.s32 s7, s2  }
0x1e: {  	s7 =	smul.u32 @!p0 $0xF7A, s2;
	p2 =	seq.s32 @!p0 s5, $0x0  }
0x1f: {  	s9 =	smul.u32 $0xF7A, s1;
	s8 =	simm.s32 @!p0 $0x1BF5;
	p2 =	por !p2, p0  }
0x20: {  	[sflag:s8] =	ssyncset.s32 @!p0 $0xFFFFF086;
	s6 =	sadd.s32 @!p0 s3, s7;
	s7 =	simm.s32 @!p0 $0x108  }
0x21: {  	s3 =	sadd.s32 s3, s9;
	s6 =	sadd.s32 @!p0 $0x88, s6;
	s7 =	simm.s32 @p2 $0x1082  }
0x22: {  	[simem:s7], [sflag:s8] =	dma.local @!p0 [hbm:s6], $0xF7A  }
0x23: {  	s9 =	sor.u32 $0xD0000000, s2;
	s6 =	simm.s32 $0x108;
	_ =	swait.ge @!p0 [sflag:s8], $0x0  }
0x24: {  	s3 =	sadd.s32 $0x88, s3;
	s6 =	simm.s32 @!p1 $0x1082;
	[sflag:s4] =	ssyncset.s32 $0xFFFFF086  }
0x25: {  	[simem:s6], [sflag:s4] =	dma.local [hbm:s3], $0xF7A  }
0x26: {  	[smem:$0x3F9B] =	sst s1;
	(tag) =	ssettag s2;
	_ =	strace s9  }
0x27: {  	s1 =	sld [smem:$0x3FAB]  }
0x28: {  	s2 =	sld [smem:$0x3FAC]  }
0x29: {  	s4 =	sld [smem:$0x3FAE]  }
0x2a: {  	p0 =	seq.s32 s5, $0x0;
	s5 =	sld [smem:$0x3FAF]  }
0x2b: {  	s6 =	sld [smem:$0x3FB0]  }
0x2c: {  	s7 =	sld [smem:$0x3FB1]  }
0x2d: {  	s3 =	simm.s32 $0x108;
	s8 =	sld [smem:$0x3FB2]  }
0x2e: {  	s3 =	simm.s32 @!p0 $0x1082;
	s9 =	sld [smem:$0x3FB3]  }
0x2f: {  	lr =	sadd.s32 s0, s3;
	s0 =	sld [smem:$0x3FAA]  }
0x30: {  	s3 =	sld [smem:$0x3FAD]  }
0x31: {  	[smem:$0x3FB6] =	sst s10  }
0x32: {  	s10 =	sld [smem:$0x3FB4];
	_ =	sdelay $0x3  }
0x33: {  	p0 =	seq.s32 s10, $0x1;
	s10 =	sld [smem:$0x3FB6];
	_ =	sdelay $0x3  }
0x34: {  	[smem:$0x3FB6] =	sst s10  }
0x35: {  	s10 =	sld [smem:$0x3FB5];
	_ =	sdelay $0x3  }
0x36: {  	p1 =	seq.s32 s10, $0x1;
	s10 =	sld [smem:$0x3FB6];
	_ =	sdelay $0x3  }
0x37: {  	[smem:$0x3FB6] =	sst s10  }
0x38: {  	s10 =	sld [smem:$0x3FB7]  }
0x39: {  	_ = 	snop;
	(pc) =	sbr.ind lr, $3  }
0x3a: {  	_ = 	snop  }
0x3b: {  	_ = 	snop  }
0x3c: {  	p2 =	seq.s32 s10, $0x1;
	s10 =	sld [smem:$0x3FB6]  }
0x3d: {  	_ =	shalt  }
0x3e: {  	_ =	shalt  }
0x3f: {  	_ =	shalt  }
0x40: {  	_ =	shalt  }
0x41: {  	_ =	shalt  }
0x42: {  	_ =	shalt  }
0x43: {  	_ =	shalt  }
0x44: {  	_ =	shalt  }
0x45: {  	_ =	shalt  }
0x46: {  	_ =	shalt  }
0x47: {  	_ =	shalt  }
0x48: {  	_ =	shalt  }
0x49: {  	_ =	shalt  }
0x4a: {  	_ =	shalt  }
0x4b: {  	_ =	shalt  }
0x4c: {  	_ =	shalt  }
0x4d: {  	_ =	shalt  }
0x4e: {  	_ =	shalt  }
0x4f: {  	_ =	shalt  }
0x50: {  	_ =	shalt  }
0x51: {  	_ =	shalt  }
0x52: {  	_ =	shalt  }
0x53: {  	_ =	shalt  }
0x54: {  	_ =	shalt  }
0x55: {  	_ =	shalt  }
0x56: {  	_ =	shalt  }
0x57: {  	_ =	shalt  }
0x58: {  	_ =	shalt  }
0x59: {  	_ =	shalt  }
0x5a: {  	_ =	shalt  }
0x5b: {  	_ =	shalt  }
0x5c: {  	_ =	shalt  }
0x5d: {  	_ =	shalt  }
0x5e: {  	_ =	shalt  }
0x5f: {  	_ =	shalt  }
0x60: {  	_ =	shalt  }
0x61: {  	_ =	shalt  }
0x62: {  	_ =	shalt  }
0x63: {  	_ =	shalt  }
0x64: {  	_ =	shalt  }
0x65: {  	_ =	shalt  }
0x66: {  	_ =	shalt  }
0x67: {  	_ =	shalt  }
0x68: {  	_ =	shalt  }
0x69: {  	_ =	shalt  }
0x6a: {  	_ =	shalt  }
0x6b: {  	_ =	shalt  }
0x6c: {  	_ =	shalt  }
0x6d: {  	_ =	shalt  }
0x6e: {  	_ =	shalt  }
0x6f: {  	_ =	shalt  }
0x70: {  	_ =	shalt  }
0x71: {  	_ =	shalt  }
0x72: {  	_ =	shalt  }
0x73: {  	_ =	shalt  }
0x74: {  	_ =	shalt  }
0x75: {  	_ =	shalt  }
0x76: {  	_ =	shalt  }
0x77: {  	_ =	shalt  }
0x78: {  	_ =	shalt  }
0x79: {  	_ =	shalt  }
0x7a: {  	_ =	shalt  }
0x7b: {  	_ =	shalt  }
0x7c: {  	_ =	shalt  }
0x7d: {  	_ =	shalt  }
0x7e: {  	_ =	shalt  }
0x7f: {  	_ =	shalt  }
0x80: {  	_ =	shalt  }
0x81: {  	_ =	shalt  }
0x82: {  	_ =	shalt  }
0x83: {  	_ =	shalt  }
0x84: {  	_ =	shalt  }
0x85: {  	_ =	shalt  }
0x86: {  	_ =	shalt  }
0x87: {  	_ =	shalt  }
.Lfunc_end0:
.L_simem_size_0:
called_computation.2_lowered:
.L_overlay_start_0:
0x88: {  	s2 =	sld [smem:$0x3FD9]  }
0x89: {  	s3 =	sld [smem:$0x3FFE];
	_ =	sdelay $0x1  }
0x8a: {  	s1 =	srdreg.scid  }
0x8b: {  	s0 =	sand.u32 $0x1, s1  }
0x8c: {  	s17 =	sshll.u32 s0, $0xA;
	s2 =	sadd.s32 s3, s2  }
0x8d: {  	s2 =	sadd.s32 s2, s17  }
0x8e: {  	[smem:$0x3FC2] =	sst s2  }
0x8f: {  	_ = 	snop  }
0x90: {  	s2 =	sld [smem:$0x3FD0];
	(tm) =	ssettm $0x1  }
0x91: {  	s18 =	sld [smem:$0x3FFB];
	_ =	sdelay $0x3  }
0x92: {  	_ =	strace s18  }
0x93: {  	s3 =	sld [smem:$0x3FFC];
	_ =	sdelay $0x3  }
0x94: {  	_ =	strace s3  }
0x95: {  	s3 =	sld [smem:$0x3FFD];
	_ =	sdelay $0x3  }
0x96: {  	_ =	strace s3  }
0x97: {  	_ =	strace $0x8FFFFFFF  }
0x98: {  	s19 =	sld [smem:$0x3FDB];
	_ =	sdelay $0x1  }
0x99: {  	s4 =	simm.s32 $_scs_section_size  }
0x9a: {  	s5 =	simm.s32 $_size__tile_overlayer_lowered;
	s6 =	simm.s32 $_tile_overlayer_lowered  }
0x9b: {  	s22 =	simm.s32 $0x1BFF;
	s21 =	sshll.u32 s6, $0x1;
	s3 =	sadd.s32 s4, s19  }
0x9c: {  	s7 =	simm.s32 $0x0;
	s20 =	sshll.u32 s5, $0x1;
	s5 =	sadd.s32 s21, s3  }
0x9d: {  	[timem:s7], [sflag:s22] =	dma.local [hbm:s5], s20  }
0x9e: {  	_ =	swait.ge [sflag:s22], s20  }
0x9f: {  	s4 =	ssub.s32 $0x0, s20;
	[sflag:s22] =	ssyncset.done $0x0  }
0xa0: {  	[sflag:s22] =	ssyncadd.s32 s4;
	_ =	sdelay $0x1  }
0xa1: {  	s23 =	simm.s32 $0x1B8B  }
0xa2: {  	_ =	swait.ge [sflag:s23], $0x1  }
0xa3: {  	[sflag:s23] =	ssyncset.done $0x0  }
0xa4: {  	s25 =	simm.s32 $0x1B8E;
	s24 =	sld [smem:$0x3FFE];
	[sflag:s23] =	ssyncadd.s32 $0xFFFFFFFF  }
0xa5: {  	s26 =	simm.s32 $execute0_lowered;
	[smem:$0x3FD2] =	sst s25  }
0xa6: {  	s5 =	sshll.u32 s26, $0x1;
	_ =	strace $0x8000004C;
	[dreg:$0x1] =	wrdreg $0xFFFFFFFF  }
0xa7: {  	s28 =	simm.s32 $_size_execute0_lowered;
	s3 =	sadd.s32 s3, s5;
	[dreg:$0x0] =	wrdreg $0x0  }
0xa8: {  	s5 =	sshll.u32 s28, $0x1;
	[dreg:$0x2] =	wrdreg s3  }
0xa9: {  	[dreg:$0x3] =	wrdreg s5  }
0xaa: {  	[dreg:$0x4] =	wrdreg $0xC0  }
0xab: {  	_ =	task [dreg:s7], $0x5FFFF  }
0xac: {  	[dreg:$0x1] =	wrdreg $0xFFFFFFFF  }
0xad: {  	[dreg:$0x0] =	wrdreg $0x60  }
0xae: {  	[dreg:$0x2] =	wrdreg s24  }
0xaf: {  	[dreg:$0x3] =	wrdreg s2  }
0xb0: {  	[dreg:$0x4] =	wrdreg $0x0  }
0xb1: {  	[dreg:$0x5] =	wrdreg $0x9  }
0xb2: {  	_ =	task.clear_ibuf [dreg:s7], $0x6FFFF;
	_ =	strace $0x9000004C  }
0xb3: {  	s29 =	simm.s32 $0x9;
	_ =	strace $0x8000004E  }
0xb4: {  	_ =	swait.ge [sflag:s29], $0x1  }
0xb5: {  	[sflag:s29] =	ssyncadd.s32 $0xFFFFFFFF  }
0xb6: {  	_ =	strace $0x9000004E  }
0xb7: {  	_ =	sfence  }
0xb8: {  	s30 =	sld [smem:$0x0];
	_ =	sdelay $0x2  }
0xb9: {  	s31 =	sshll.u32 s1, $0xD;
	s1 =	sshrl.u32 s1, $0x2  }
0xba: {  	s3 =	sand.u32 $0x4000, s31;
	s1 =	sadd.s32 s1, s30  }
0xbb: {  	s0 =	sor.u32 s3, s0;
	s1 =	sshll.u32 s1, $0x11  }
0xbc: {  	s0 =	sor.u32 s1, s0  }
0xbd: {  	s0 =	sadd.s32 $0x8F2B, s0  }
0xbe: {  	[sflag:s0] =	ssyncadd.remote.s32 $0x1  }
0xbf: {  	_ =	sfence.sel $0xFFFF  }
0xc0: {  	[dreg:$0x0] =	wrdreg $0xFFFFFFFF;
	(pc) =	sbr.abs _section_cstart, $3  }
0xc1: {  	[dreg:$0x1] =	wrdreg $0xFFFFFFFF  }
0xc2: {  	_ =	task.clear_ibuf [dreg:s7], $0x2FFFF;
	_ =	strace $0x9FFFFFFF  }
0xc3: {  	(tm) =	ssettm $0x7FFFFFFF  }
tec
execute0_lowered:
.L_overlay_start_1:
0x0: {  	(tag) =	ssettag $0x1  }
0x1: {  	s1 =	srdreg.scid;
	s5 =	rddreg [dreg:$0x0]  }
0x2: {  	s0 =	stileid.u32;
	s10 =	rddreg [dreg:$0x1]  }
0x3: {  	s2 =	rddreg [dreg:$0x2];
	s3 =	simm.s32 $0x0;
	s15 =	simm.s32 $0x2  }
0x4: {  	s16 =	simm.s32 $0x14000;
	s17 =	simm.s32 $0x16800;
	s18 =	simm.s32 $0x80  }
0x5: {  	s19 =	simm.s32 $0x1;
	s21 =	simm.s32 $0x0;
	s6 =	sand.u32 $0x1, s1  }
0x6: {  	s29 =	sshll.u32 s0, $0x1;
	[smem:$0x7FF] =	sst s3;
	s8 =	smul.u32 $0x14000, s0  }
0x7: {  	s9 =	smul.u32 $0x50000, s0;
	s4 =	sadd.s32 $0x5CC00, s5;
	s20 =	sshll.u32 s0, $0x6  }
0x8: {  	s1 =	sor.u32 s6, s29;
	s7 =	smul.u32 $0x140000, s6;
	s6 =	ssub.s32 $0x2, s6  }
0x9: {  	s20 =	sor.u32 $0x1C02, s20;
	s11 =	smul.u32 $0x500, s1;
	s1 =	rddreg [dreg:$0x3]  }
0xa: {  	_ =	strace $0x8000004D;
	s31 =	sshrl.u32 s6, $0x1;
	s7 =	sadd.s32 s8, s7  }
0xb: {  	s30 =	sshrl.u32 s9, $0x2;
	s14 =	ssub.s32 s6, s31;
	s7 =	sshrl.u32 s7, $0x3  }
0xc: {  	s12 =	sadd.s32 s11, s5;
	s13 =	sadd.s32 s7, s5;
	s5 =	sadd.s32 s30, s2  }
0xd: {  	s10 =	sadd.s32 s10, s11;
	s11 =	sadd.s32 $0x2C00, s12;
	s6 =	sadd.s32 $0x4000, s5  }
0xe: {  	s7 =	sadd.s32 $0x8000, s5;
	s8 =	sadd.s32 $0xC000, s5;
	s9 =	sadd.s32 $0x10000, s5  }
0xf: {  	v0 =	vimm.f32 $0.0e+00;
	s12 =	sadd.s32 $0x84C00, s13;
	s13 =	smax.u32 s14, $0x1;
	s14 =	simm.s32 $0x19000  }
.LBB2_1:
0x10: {  	s22 =	sand.u32 $0xFE00, s3  }
0x11: {  	s23 =	sand.u32 $0x70, s3;
	s24 =	sshrl.u32 s22, $0x2  }
0x12: {  	s22 =	simm.s32 $0x40;
	s24 =	sor.u32 s23, s24;
	s23 =	simm.s32 $0x0  }
.LBB2_2:
0x13: {  	p0 =	sne.s32 s22, $0xFFC0  }
0x14: {  	[tilespmem:s24+$0x19000] =	vst v0;
	s23 =	sadd.s32 $0x10, s23;
	s24 =	smov.u32 s22;
	s22 =	sadd.s32 $0x40, s22  }
.Ltmp0:
0x15: {  	(pc) =	sbr.rel @p0 .LBB2_2-.Ltmp0, $4  }
0x16: {  	_ = 	snop  }
0x17: {  	s24 =	sand.u32 $0xFE00, s24  }
0x18: {  	s25 =	sand.u32 $0x70, s23;
	s24 =	sshrl.u32 s24, $0x2  }
0x19: {  	s24 =	sor.u32 s25, s24  }
0x1a: {  	[tilespmem:s24+$0x19000] =	vst v0  }
0x1b: {  	[spmem:s5] =	stream.linear.scatter [tilespmem:s14], [sflag:$0x2], $0x4000, $0x38;
	[tilespmem:$0x1D000] =	vst v63  }
0x1c: {  	_ =	swait.ge [sflag:s15], $0x4000  }
0x1d: {  	[sflag:s15] =	ssyncset.done $0x0  }
0x1e: {  	[sflag:s15] =	ssyncadd.s32 $0xFFFFC000  }
0x1f: {  	[spmem:s6] =	stream.linear.scatter [tilespmem:s14], [sflag:$0x2], $0x4000, $0x38;
	[tilespmem:$0x1D000] =	vst v63  }
0x20: {  	_ =	swait.ge [sflag:s15], $0x4000  }
0x21: {  	[sflag:s15] =	ssyncset.done $0x0  }
0x22: {  	[sflag:s15] =	ssyncadd.s32 $0xFFFFC000  }
0x23: {  	[spmem:s7] =	stream.linear.scatter [tilespmem:s14], [sflag:$0x2], $0x4000, $0x38;
	[tilespmem:$0x1D000] =	vst v63  }
0x24: {  	_ =	swait.ge [sflag:s15], $0x4000  }
0x25: {  	[sflag:s15] =	ssyncset.done $0x0  }
0x26: {  	[sflag:s15] =	ssyncadd.s32 $0xFFFFC000  }
0x27: {  	[spmem:s8] =	stream.linear.scatter [tilespmem:s14], [sflag:$0x2], $0x4000, $0x38;
	[tilespmem:$0x1D000] =	vst v63  }
0x28: {  	_ =	swait.ge [sflag:s15], $0x4000  }
0x29: {  	[sflag:s15] =	ssyncset.done $0x0  }
0x2a: {  	[sflag:s15] =	ssyncadd.s32 $0xFFFFC000  }
0x2b: {  	[spmem:s9] =	stream.linear.scatter [tilespmem:s14], [sflag:$0x2], $0x4000, $0x38;
	[tilespmem:$0x1D000] =	vst v63  }
0x2c: {  	_ =	swait.ge [sflag:s15], $0x4000  }
0x2d: {  	[sflag:s15] =	ssyncset.done $0x0  }
0x2e: {  	[sflag:s15] =	ssyncadd.s32 $0xFFFFC000  }
0x2f: {  	s22 =	simm.s32 $0x0;
	[bflag:$0x0] =	sbarrier.arrive $0xFFFF  }
0x30: {  	[tilespmem:s16], [sflag:$0x2] =	stream.linear.gather [hbm4b:s10+s22], $0x2780, $0x38;
	[tilespmem:$0x1D000] =	vst v63  }
0x31: {  	_ =	swait.ge [sflag:s15], $0x2780  }
0x32: {  	[sflag:s15] =	ssyncset.done $0x0  }
0x33: {  	[sflag:s15] =	ssyncadd.s32 $0xFFFFD880  }
0x34: {  	[tilespmem:s17], [sflag:$0x2] =	stream.linear.gather [hbm4b:s11+s22], $0x2780, $0x38;
	[tilespmem:$0x1D000] =	vst v63  }
0x35: {  	_ =	swait.ge [sflag:s15], $0x2780  }
0x36: {  	[sflag:s15] =	ssyncset.done $0x0  }
0x37: {  	s30 =	simm.s32 $0x14000;
	[sflag:s15] =	ssyncadd.s32 $0xFFFFD880  }
0x38: {  	[tilespmem:s14], [sflag:$0x1] =	stream.indirect.gather [hbm4b:s4+s18], $0x80, s30, s18, $0xb8;
	[tilespmem:$0x1D000] =	vst v63  }
0x39: {  	_ =	swait.ge [sflag:s19], $0x4000  }
0x3a: {  	[sflag:s19] =	ssyncset.done $0x0  }
0x3b: {  	s31 =	simm.s32 $0x16800;
	[sflag:s19] =	ssyncadd.s32 $0xFFFFC000  }
0x3c: {  	[spmem:s2] =	stream.indirect.scatter.add.f32 [tilespmem:s14], [sflag:$0x2], $0x80, s31, s18, $0xb8;
	[tilespmem:$0x1D000] =	vst v63  }
0x3d: {  	_ =	swait.ge [sflag:s15], $0x4000  }
0x3e: {  	s23 =	simm.s32 $0x400;
	s22 =	simm.s32 $0x80;
	[sflag:s15] =	ssyncset.done $0x0  }
.LBB2_4:
0x3f: {  	s24 =	sadd.s32 $0x14000, s22  }
0x40: {  	[sflag:s15] =	ssyncadd.s32 $0xFFFFC000;
	s25 =	smov.u32 s23;
	s26 =	sadd.s32 $0x200, s23  }
0x41: {  	[tilespmem:s14], [sflag:$0x1] =	stream.indirect.gather [hbm4b:s4+s18], $0x80, s24, s18, $0xb8;
	[tilespmem:$0x1D000] =	vst v63  }
0x42: {  	p0 =	sne.s32 s23, $0x9C00;
	_ =	swait.ge [sflag:s19], $0x4000  }
.Ltmp1:
0x43: {  	[sflag:s19] =	ssyncset.done $0x0;
	(pc) =	sbr.rel @p0 .LBB2_4-.Ltmp1, $4  }
0x44: {  	s22 =	sadd.s32 $0x16800, s22;
	[sflag:s19] =	ssyncadd.s32 $0xFFFFC000  }
0x45: {  	[spmem:s2] =	stream.indirect.scatter.add.f32 [tilespmem:s14], [sflag:$0x2], $0x80, s22, s18, $0xb8;
	[tilespmem:$0x1D000] =	vst v63  }
0x46: {  	_ =	swait.ge [sflag:s15], $0x4000  }
0x47: {  	s23 =	smov.u32 s26;
	s22 =	sshra.s32 s25, $0x2;
	[sflag:s15] =	ssyncset.done $0x0  }
0x48: {  	s23 =	sadd.s32 $0x14000, s22;
	[sflag:s15] =	ssyncadd.s32 $0xFFFFC000  }
0x49: {  	[tilespmem:s14], [sflag:$0x1] =	stream.indirect.gather [hbm4b:s4+s18], $0x80, s23, s18, $0xb8;
	[tilespmem:$0x1D000] =	vst v63  }
0x4a: {  	_ =	swait.ge [sflag:s19], $0x4000  }
0x4b: {  	[sflag:s19] =	ssyncset.done $0x0  }
0x4c: {  	s30 =	sadd.s32 $0x16800, s22;
	[sflag:s19] =	ssyncadd.s32 $0xFFFFC000  }
0x4d: {  	[spmem:s2] =	stream.indirect.scatter.add.f32 [tilespmem:s14], [sflag:$0x2], $0x80, s30, s18, $0xb8;
	[tilespmem:$0x1D000] =	vst v63  }
0x4e: {  	_ =	swait.ge [sflag:s15], $0x4000  }
0x4f: {  	s21 =	sadd.s32 $0x1, s21;
	[sflag:s15] =	ssyncset.done $0x0  }
0x50: {  	p0 =	sne.s32 s21, s13;
	[sflag:s15] =	ssyncadd.s32 $0xFFFFC000  }
.Ltmp2:
0x51: {  	s31 =	sshrl.u32 s5, $0x3;
	[bflag:$0x0] =	sbarrier.arrive $0xFFFF;
	(pc) =	sbr.rel @p0 .LBB2_1-.Ltmp2, $4  }
0x52: {  	[hbm:s12], [sflag:s20] =	dma.local [spmem:s31], $0x2800  }
0x53: {  	_ =	swait.ge [sflag:s15], $0x2800  }
0x54: {  	[sflag:s15] =	ssyncset.done $0x0  }
0x55: {  	[sflag:s15] =	ssyncadd.s32 $0xFFFFD800  }
0x56: {  	_ =	sfence.sel $0x180000  }
0x57: {  	[bflag:$0x0] =	sbarrier.arrive $0xFFFF  }
0x58: {  	p0 =	sne.s32 s0, $0x0;
	_ =	strace $0x9000004D  }
0x59: {  	s0 =	sadd.s32 @!p0 $0x100000, s1;
	[bflag:$0x2] =	sbarrier.arrive $0xFFFF  }
0x5a: {  	[sflag:s0] =	ssyncadd.tile.s32 @!p0 $0x1;
	_ =	shalt  }
.Lfunc_end2:
_tile_overlayer_lowered:
.L_overlay_start_2:
0x5b: {  	(tag) =	ssettag $0x2  }
0x5c: {  	s0 =	rddreg [dreg:$0x0];
	s2 =	stileid.u32  }
0x5d: {  	s1 =	rddreg [dreg:$0x1];
	p0 =	sne.s32 s2, $0x0  }
0x5e: {  	s3 =	rddreg [dreg:$0x2];
	[bflag:$0x3] =	sbarrier.arrive $0xFFFF;
	s2 =	simm.s32 @!p0 $0x1C02  }
0x5f: {  	[timem:s3], [sflag:s2] =	dma.local @!p0 [hbm:s0], s1  }
0x60: {  	s0 =	simm.s32 @!p0 $0x2  }
0x61: {  	_ =	swait.ge @!p0 [sflag:s0], s1  }
0x62: {  	s1 =	ssub.s32 @!p0 $0x0, s1;
	[sflag:s0] =	ssyncset.done @!p0 $0x0  }
0x63: {  	[sflag:s0] =	ssyncadd.s32 @!p0 s1  }
0x64: {  	[bflag:$0x3] =	sbarrier.arrive $0xFFFF  }
0x65: {  	_ =	shalt  }

// kernel: kernel.8.cloned.1.call-start
scs
__scs_entry_jumppad:
0x0: {  	(pc) =	sbr.rel $0x88, $3  }
0x1: {  	(tag) =	ssettag $0x0;
	lr =	simm.s32 $0x1  }
0x2: {  	[smem:$0x3F9B] =	sst lr;
	_ =	strace $0xD0000000  }
0x3: {  	_ = 	snop  }
0x4: {  	_ = 	snop  }
0x5: {  	_ = 	snop  }
0x6: {  	_ = 	snop  }
0x7: {  	_ = 	snop  }
__scs_overlays_trampoline_lowered:
0x8: {  	[smem:$0x3FAA] =	sst s0  }
0x9: {  	[smem:$0x3FAB] =	sst s1  }
0xa: {  	[smem:$0x3FAC] =	sst s2  }
0xb: {  	[smem:$0x3FAD] =	sst s3  }
0xc: {  	[smem:$0x3FAE] =	sst s4  }
0xd: {  	[smem:$0x3FAF] =	sst s5  }
0xe: {  	[smem:$0x3FB0] =	sst s6  }
0xf: {  	[smem:$0x3FB1] =	sst s7  }
0x10: {  	[smem:$0x3FB2] =	sst s8  }
0x11: {  	[smem:$0x3FB3] =	sst s9;
	s0 =	simm.s32 @!p0 $0x0  }
0x12: {  	s1 =	sld [smem:$0x3F99];
	s0 =	simm.s32 @p0 $0x1  }
0x13: {  	[smem:$0x3FB4] =	sst s0;
	s0 =	simm.s32 @!p1 $0x0  }
0x14: {  	s2 =	sld [smem:$0x3F98];
	s0 =	simm.s32 @p1 $0x1  }
0x15: {  	[smem:$0x3FB5] =	sst s0;
	s0 =	simm.s32 @!p2 $0x0  }
0x16: {  	s3 =	sld [smem:$0x3FDB];
	s0 =	simm.s32 @p2 $0x1  }
0x17: {  	s4 =	simm.s32 $0x1BF5;
	[smem:$0x3FB7] =	sst s0  }
0x18: {  	s0 =	sld [smem:$0x3F9A];
	_ =	swait.ge [sflag:s4], $0x0  }
0x19: {  	s7 =	sld [smem:$0x3F9B]  }
0x1a: {  	s8 =	sadd.s32 $0xFFFFE003, lr  }
0x1b: {  	s9 =	sadd.s32 $0xFFFFFEF7, lr;
	s5 =	simm.s32 $0xFFFFFFFF;
	p2 =	slt.u32 s8, $0xFFFFF086  }
0x1c: {  	p1 =	slt.u32 s9, $0xF7A;
	s5 =	simm.s32 @!p2 $0x0  }
0x1d: {  	s5 =	simm.s32 @p1 $0x1;
	p0 =	seq.s32 s7, s2  }
0x1e: {  	s7 =	smul.u32 @!p0 $0xF7A, s2;
	p2 =	seq.s32 @!p0 s5, $0x0  }
0x1f: {  	s9 =	smul.u32 $0xF7A, s1;
	s8 =	simm.s32 @!p0 $0x1BF5;
	p2 =	por !p2, p0  }
0x20: {  	[sflag:s8] =	ssyncset.s32 @!p0 $0xFFFFF086;
	s6 =	sadd.s32 @!p0 s3, s7;
	s7 =	simm.s32 @!p0 $0x108  }
0x21: {  	s3 =	sadd.s32 s3, s9;
	s6 =	sadd.s32 @!p0 $0x88, s6;
	s7 =	simm.s32 @p2 $0x1082  }
0x22: {  	[simem:s7], [sflag:s8] =	dma.local @!p0 [hbm:s6], $0xF7A  }
0x23: {  	s9 =	sor.u32 $0xD0000000, s2;
	s6 =	simm.s32 $0x108;
	_ =	swait.ge @!p0 [sflag:s8], $0x0  }
0x24: {  	s3 =	sadd.s32 $0x88, s3;
	s6 =	simm.s32 @!p1 $0x1082;
	[sflag:s4] =	ssyncset.s32 $0xFFFFF086  }
0x25: {  	[simem:s6], [sflag:s4] =	dma.local [hbm:s3], $0xF7A  }
0x26: {  	[smem:$0x3F9B] =	sst s1;
	(tag) =	ssettag s2;
	_ =	strace s9  }
0x27: {  	s1 =	sld [smem:$0x3FAB]  }
0x28: {  	s2 =	sld [smem:$0x3FAC]  }
0x29: {  	s4 =	sld [smem:$0x3FAE]  }
0x2a: {  	p0 =	seq.s32 s5, $0x0;
	s5 =	sld [smem:$0x3FAF]  }
0x2b: {  	s6 =	sld [smem:$0x3FB0]  }
0x2c: {  	s7 =	sld [smem:$0x3FB1]  }
0x2d: {  	s3 =	simm.s32 $0x108;
	s8 =	sld [smem:$0x3FB2]  }
0x2e: {  	s3 =	simm.s32 @!p0 $0x1082;
	s9 =	sld [smem:$0x3FB3]  }
0x2f: {  	lr =	sadd.s32 s0, s3;
	s0 =	sld [smem:$0x3FAA]  }
0x30: {  	s3 =	sld [smem:$0x3FAD]  }
0x31: {  	[smem:$0x3FB6] =	sst s10  }
0x32: {  	s10 =	sld [smem:$0x3FB4];
	_ =	sdelay $0x3  }
0x33: {  	p0 =	seq.s32 s10, $0x1;
	s10 =	sld [smem:$0x3FB6];
	_ =	sdelay $0x3  }
0x34: {  	[smem:$0x3FB6] =	sst s10  }
0x35: {  	s10 =	sld [smem:$0x3FB5];
	_ =	sdelay $0x3  }
0x36: {  	p1 =	seq.s32 s10, $0x1;
	s10 =	sld [smem:$0x3FB6];
	_ =	sdelay $0x3  }
0x37: {  	[smem:$0x3FB6] =	sst s10  }
0x38: {  	s10 =	sld [smem:$0x3FB7]  }
0x39: {  	_ = 	snop;
	(pc) =	sbr.ind lr, $3  }
0x3a: {  	_ = 	snop  }
0x3b: {  	_ = 	snop  }
0x3c: {  	p2 =	seq.s32 s10, $0x1;
	s10 =	sld [smem:$0x3FB6]  }
0x3d: {  	_ =	shalt  }
0x3e: {  	_ =	shalt  }
0x3f: {  	_ =	shalt  }
0x40: {  	_ =	shalt  }
0x41: {  	_ =	shalt  }
0x42: {  	_ =	shalt  }
0x43: {  	_ =	shalt  }
0x44: {  	_ =	shalt  }
0x45: {  	_ =	shalt  }
0x46: {  	_ =	shalt  }
0x47: {  	_ =	shalt  }
0x48: {  	_ =	shalt  }
0x49: {  	_ =	shalt  }
0x4a: {  	_ =	shalt  }
0x4b: {  	_ =	shalt  }
0x4c: {  	_ =	shalt  }
0x4d: {  	_ =	shalt  }
0x4e: {  	_ =	shalt  }
0x4f: {  	_ =	shalt  }
0x50: {  	_ =	shalt  }
0x51: {  	_ =	shalt  }
0x52: {  	_ =	shalt  }
0x53: {  	_ =	shalt  }
0x54: {  	_ =	shalt  }
0x55: {  	_ =	shalt  }
0x56: {  	_ =	shalt  }
0x57: {  	_ =	shalt  }
0x58: {  	_ =	shalt  }
0x59: {  	_ =	shalt  }
0x5a: {  	_ =	shalt  }
0x5b: {  	_ =	shalt  }
0x5c: {  	_ =	shalt  }
0x5d: {  	_ =	shalt  }
0x5e: {  	_ =	shalt  }
0x5f: {  	_ =	shalt  }
0x60: {  	_ =	shalt  }
0x61: {  	_ =	shalt  }
0x62: {  	_ =	shalt  }
0x63: {  	_ =	shalt  }
0x64: {  	_ =	shalt  }
0x65: {  	_ =	shalt  }
0x66: {  	_ =	shalt  }
0x67: {  	_ =	shalt  }
0x68: {  	_ =	shalt  }
0x69: {  	_ =	shalt  }
0x6a: {  	_ =	shalt  }
0x6b: {  	_ =	shalt  }
0x6c: {  	_ =	shalt  }
0x6d: {  	_ =	shalt  }
0x6e: {  	_ =	shalt  }
0x6f: {  	_ =	shalt  }
0x70: {  	_ =	shalt  }
0x71: {  	_ =	shalt  }
0x72: {  	_ =	shalt  }
0x73: {  	_ =	shalt  }
0x74: {  	_ =	shalt  }
0x75: {  	_ =	shalt  }
0x76: {  	_ =	shalt  }
0x77: {  	_ =	shalt  }
0x78: {  	_ =	shalt  }
0x79: {  	_ =	shalt  }
0x7a: {  	_ =	shalt  }
0x7b: {  	_ =	shalt  }
0x7c: {  	_ =	shalt  }
0x7d: {  	_ =	shalt  }
0x7e: {  	_ =	shalt  }
0x7f: {  	_ =	shalt  }
0x80: {  	_ =	shalt  }
0x81: {  	_ =	shalt  }
0x82: {  	_ =	shalt  }
0x83: {  	_ =	shalt  }
0x84: {  	_ =	shalt  }
0x85: {  	_ =	shalt  }
0x86: {  	_ =	shalt  }
0x87: {  	_ =	shalt  }
.Lfunc_end0:
.L_simem_size_0:
called_computation_lowered:
.L_overlay_start_0:
0x88: {  	s2 =	sld [smem:$0x3FD9]  }
0x89: {  	s3 =	sld [smem:$0x3FFE];
	_ =	sdelay $0x1  }
0x8a: {  	s1 =	srdreg.scid  }
0x8b: {  	s0 =	sand.u32 $0x1, s1  }
0x8c: {  	s17 =	sshll.u32 s0, $0xA;
	s2 =	sadd.s32 s3, s2  }
0x8d: {  	s2 =	sadd.s32 s2, s17  }
0x8e: {  	[smem:$0x3FC2] =	sst s2  }
0x8f: {  	_ = 	snop  }
0x90: {  	s2 =	sld [smem:$0x3FD0];
	(tm) =	ssettm $0x1  }
0x91: {  	s18 =	sld [smem:$0x3FFB];
	_ =	sdelay $0x3  }
0x92: {  	_ =	strace s18  }
0x93: {  	s3 =	sld [smem:$0x3FFC];
	_ =	sdelay $0x3  }
0x94: {  	_ =	strace s3  }
0x95: {  	s3 =	sld [smem:$0x3FFD];
	_ =	sdelay $0x3  }
0x96: {  	_ =	strace s3  }
0x97: {  	_ =	strace $0x8FFFFFFF  }
0x98: {  	s19 =	sld [smem:$0x3FDB];
	_ =	sdelay $0x1  }
0x99: {  	s4 =	simm.s32 $_scs_section_size  }
0x9a: {  	s5 =	simm.s32 $_size__tile_overlayer_lowered;
	s6 =	simm.s32 $_tile_overlayer_lowered  }
0x9b: {  	s22 =	simm.s32 $0x1BFF;
	s21 =	sshll.u32 s6, $0x1;
	s3 =	sadd.s32 s4, s19  }
0x9c: {  	s7 =	simm.s32 $0x0;
	s20 =	sshll.u32 s5, $0x1;
	s5 =	sadd.s32 s21, s3  }
0x9d: {  	[timem:s7], [sflag:s22] =	dma.local [hbm:s5], s20  }
0x9e: {  	_ =	swait.ge [sflag:s22], s20  }
0x9f: {  	s4 =	ssub.s32 $0x0, s20;
	[sflag:s22] =	ssyncset.done $0x0  }
0xa0: {  	[sflag:s22] =	ssyncadd.s32 s4;
	_ =	sdelay $0x1  }
0xa1: {  	s23 =	simm.s32 $0x1B8B  }
0xa2: {  	_ =	swait.ge [sflag:s23], $0x1  }
0xa3: {  	[sflag:s23] =	ssyncset.done $0x0  }
0xa4: {  	s25 =	simm.s32 $0x1B8E;
	s24 =	sld [smem:$0x3FFE];
	[sflag:s23] =	ssyncadd.s32 $0xFFFFFFFF  }
0xa5: {  	s26 =	simm.s32 $execute0_lowered;
	[smem:$0x3FD2] =	sst s25  }
0xa6: {  	s5 =	sshll.u32 s26, $0x1;
	_ =	strace $0x80000046;
	[dreg:$0x1] =	wrdreg $0xFFFFFFFF  }
0xa7: {  	s28 =	simm.s32 $_size_execute0_lowered;
	s3 =	sadd.s32 s3, s5;
	[dreg:$0x0] =	wrdreg $0x0  }
0xa8: {  	s5 =	sshll.u32 s28, $0x1;
	[dreg:$0x2] =	wrdreg s3  }
0xa9: {  	[dreg:$0x3] =	wrdreg s5  }
0xaa: {  	[dreg:$0x4] =	wrdreg $0xC0  }
0xab: {  	_ =	task [dreg:s7], $0x5FFFF  }
0xac: {  	[dreg:$0x1] =	wrdreg $0xFFFFFFFF  }
0xad: {  	[dreg:$0x0] =	wrdreg $0x60  }
0xae: {  	[dreg:$0x2] =	wrdreg s24  }
0xaf: {  	[dreg:$0x3] =	wrdreg s2  }
0xb0: {  	[dreg:$0x4] =	wrdreg $0x0  }
0xb1: {  	[dreg:$0x5] =	wrdreg $0x9  }
0xb2: {  	_ =	task.clear_ibuf [dreg:s7], $0x6FFFF;
	_ =	strace $0x90000046  }
0xb3: {  	s29 =	simm.s32 $0x9;
	_ =	strace $0x80000048  }
0xb4: {  	_ =	swait.ge [sflag:s29], $0x1  }
0xb5: {  	[sflag:s29] =	ssyncadd.s32 $0xFFFFFFFF  }
0xb6: {  	_ =	strace $0x90000048  }
0xb7: {  	_ =	sfence  }
0xb8: {  	s30 =	sld [smem:$0x0];
	_ =	sdelay $0x2  }
0xb9: {  	s31 =	sshll.u32 s1, $0xD;
	s1 =	sshrl.u32 s1, $0x2  }
0xba: {  	s3 =	sand.u32 $0x4000, s31;
	s1 =	sadd.s32 s1, s30  }
0xbb: {  	s0 =	sor.u32 s3, s0;
	s1 =	sshll.u32 s1, $0x11  }
0xbc: {  	s0 =	sor.u32 s1, s0  }
0xbd: {  	s0 =	sadd.s32 $0x8F2B, s0  }
0xbe: {  	[sflag:s0] =	ssyncadd.remote.s32 $0x1  }
0xbf: {  	_ =	sfence.sel $0xFFFF  }
0xc0: {  	[dreg:$0x0] =	wrdreg $0xFFFFFFFF;
	(pc) =	sbr.abs _section_cstart, $3  }
0xc1: {  	[dreg:$0x1] =	wrdreg $0xFFFFFFFF  }
0xc2: {  	_ =	task.clear_ibuf [dreg:s7], $0x2FFFF;
	_ =	strace $0x9FFFFFFF  }
0xc3: {  	(tm) =	ssettm $0x7FFFFFFF  }
tec
execute0_lowered:
.L_overlay_start_1:
0x0: {  	(tag) =	ssettag $0x1  }
0x1: {  	s1 =	srdreg.scid;
	s5 =	rddreg [dreg:$0x0]  }
0x2: {  	s0 =	stileid.u32;
	s10 =	rddreg [dreg:$0x1]  }
0x3: {  	s2 =	rddreg [dreg:$0x2];
	s3 =	simm.s32 $0x0;
	s15 =	simm.s32 $0x2  }
0x4: {  	s16 =	simm.s32 $0x14000;
	s17 =	simm.s32 $0x16800;
	s18 =	simm.s32 $0x80  }
0x5: {  	s19 =	simm.s32 $0x1;
	s21 =	simm.s32 $0x0;
	s6 =	sand.u32 $0x1, s1  }
0x6: {  	s29 =	sshll.u32 s0, $0x1;
	[smem:$0x7FF] =	sst s3;
	s8 =	smul.u32 $0x14000, s0  }
0x7: {  	s9 =	smul.u32 $0x50000, s0;
	s4 =	sadd.s32 $0xCC00, s5;
	s20 =	sshll.u32 s0, $0x6  }
0x8: {  	s1 =	sor.u32 s6, s29;
	s7 =	smul.u32 $0x140000, s6;
	s6 =	ssub.s32 $0x2, s6  }
0x9: {  	s20 =	sor.u32 $0x1C02, s20;
	s11 =	smul.u32 $0x500, s1;
	s1 =	rddreg [dreg:$0x3]  }
0xa: {  	_ =	strace $0x80000047;
	s31 =	sshrl.u32 s6, $0x1;
	s7 =	sadd.s32 s8, s7  }
0xb: {  	s30 =	sshrl.u32 s9, $0x2;
	s14 =	ssub.s32 s6, s31;
	s7 =	sshrl.u32 s7, $0x3  }
0xc: {  	s12 =	sadd.s32 s11, s5;
	s13 =	sadd.s32 s7, s5;
	s5 =	sadd.s32 s30, s2  }
0xd: {  	s10 =	sadd.s32 s10, s11;
	s11 =	sadd.s32 $0x2C00, s12;
	s6 =	sadd.s32 $0x4000, s5  }
0xe: {  	s7 =	sadd.s32 $0x8000, s5;
	s8 =	sadd.s32 $0xC000, s5;
	s9 =	sadd.s32 $0x10000, s5  }
0xf: {  	v0 =	vimm.f32 $0.0e+00;
	s12 =	sadd.s32 $0x34C00, s13;
	s13 =	smax.u32 s14, $0x1;
	s14 =	simm.s32 $0x19000  }
.LBB2_1:
0x10: {  	s22 =	sand.u32 $0xFE00, s3  }
0x11: {  	s23 =	sand.u32 $0x70, s3;
	s24 =	sshrl.u32 s22, $0x2  }
0x12: {  	s22 =	simm.s32 $0x40;
	s24 =	sor.u32 s23, s24;
	s23 =	simm.s32 $0x0  }
.LBB2_2:
0x13: {  	p0 =	sne.s32 s22, $0xFFC0  }
0x14: {  	[tilespmem:s24+$0x19000] =	vst v0;
	s23 =	sadd.s32 $0x10, s23;
	s24 =	smov.u32 s22;
	s22 =	sadd.s32 $0x40, s22  }
.Ltmp0:
0x15: {  	(pc) =	sbr.rel @p0 .LBB2_2-.Ltmp0, $4  }
0x16: {  	_ = 	snop  }
0x17: {  	s24 =	sand.u32 $0xFE00, s24  }
0x18: {  	s25 =	sand.u32 $0x70, s23;
	s24 =	sshrl.u32 s24, $0x2  }
0x19: {  	s24 =	sor.u32 s25, s24  }
0x1a: {  	[tilespmem:s24+$0x19000] =	vst v0  }
0x1b: {  	[spmem:s5] =	stream.linear.scatter [tilespmem:s14], [sflag:$0x2], $0x4000, $0x38;
	[tilespmem:$0x1D000] =	vst v63  }
0x1c: {  	_ =	swait.ge [sflag:s15], $0x4000  }
0x1d: {  	[sflag:s15] =	ssyncset.done $0x0  }
0x1e: {  	[sflag:s15] =	ssyncadd.s32 $0xFFFFC000  }
0x1f: {  	[spmem:s6] =	stream.linear.scatter [tilespmem:s14], [sflag:$0x2], $0x4000, $0x38;
	[tilespmem:$0x1D000] =	vst v63  }
0x20: {  	_ =	swait.ge [sflag:s15], $0x4000  }
0x21: {  	[sflag:s15] =	ssyncset.done $0x0  }
0x22: {  	[sflag:s15] =	ssyncadd.s32 $0xFFFFC000  }
0x23: {  	[spmem:s7] =	stream.linear.scatter [tilespmem:s14], [sflag:$0x2], $0x4000, $0x38;
	[tilespmem:$0x1D000] =	vst v63  }
0x24: {  	_ =	swait.ge [sflag:s15], $0x4000  }
0x25: {  	[sflag:s15] =	ssyncset.done $0x0  }
0x26: {  	[sflag:s15] =	ssyncadd.s32 $0xFFFFC000  }
0x27: {  	[spmem:s8] =	stream.linear.scatter [tilespmem:s14], [sflag:$0x2], $0x4000, $0x38;
	[tilespmem:$0x1D000] =	vst v63  }
0x28: {  	_ =	swait.ge [sflag:s15], $0x4000  }
0x29: {  	[sflag:s15] =	ssyncset.done $0x0  }
0x2a: {  	[sflag:s15] =	ssyncadd.s32 $0xFFFFC000  }
0x2b: {  	[spmem:s9] =	stream.linear.scatter [tilespmem:s14], [sflag:$0x2], $0x4000, $0x38;
	[tilespmem:$0x1D000] =	vst v63  }
0x2c: {  	_ =	swait.ge [sflag:s15], $0x4000  }
0x2d: {  	[sflag:s15] =	ssyncset.done $0x0  }
0x2e: {  	[sflag:s15] =	ssyncadd.s32 $0xFFFFC000  }
0x2f: {  	s22 =	simm.s32 $0x0;
	[bflag:$0x0] =	sbarrier.arrive $0xFFFF  }
0x30: {  	[tilespmem:s16], [sflag:$0x2] =	stream.linear.gather [hbm4b:s10+s22], $0x2780, $0x38;
	[tilespmem:$0x1D000] =	vst v63  }
0x31: {  	_ =	swait.ge [sflag:s15], $0x2780  }
0x32: {  	[sflag:s15] =	ssyncset.done $0x0  }
0x33: {  	[sflag:s15] =	ssyncadd.s32 $0xFFFFD880  }
0x34: {  	[tilespmem:s17], [sflag:$0x2] =	stream.linear.gather [hbm4b:s11+s22], $0x2780, $0x38;
	[tilespmem:$0x1D000] =	vst v63  }
0x35: {  	_ =	swait.ge [sflag:s15], $0x2780  }
0x36: {  	[sflag:s15] =	ssyncset.done $0x0  }
0x37: {  	s30 =	simm.s32 $0x14000;
	[sflag:s15] =	ssyncadd.s32 $0xFFFFD880  }
0x38: {  	[tilespmem:s14], [sflag:$0x1] =	stream.indirect.gather [hbm4b:s4+s18], $0x80, s30, s18, $0xb8;
	[tilespmem:$0x1D000] =	vst v63  }
0x39: {  	_ =	swait.ge [sflag:s19], $0x4000  }
0x3a: {  	[sflag:s19] =	ssyncset.done $0x0  }
0x3b: {  	s31 =	simm.s32 $0x16800;
	[sflag:s19] =	ssyncadd.s32 $0xFFFFC000  }
0x3c: {  	[spmem:s2] =	stream.indirect.scatter.add.f32 [tilespmem:s14], [sflag:$0x2], $0x80, s31, s18, $0xb8;
	[tilespmem:$0x1D000] =	vst v63  }
0x3d: {  	_ =	swait.ge [sflag:s15], $0x4000  }
0x3e: {  	s23 =	simm.s32 $0x400;
	s22 =	simm.s32 $0x80;
	[sflag:s15] =	ssyncset.done $0x0  }
.LBB2_4:
0x3f: {  	s24 =	sadd.s32 $0x14000, s22  }
0x40: {  	[sflag:s15] =	ssyncadd.s32 $0xFFFFC000;
	s25 =	smov.u32 s23;
	s26 =	sadd.s32 $0x200, s23  }
0x41: {  	[tilespmem:s14], [sflag:$0x1] =	stream.indirect.gather [hbm4b:s4+s18], $0x80, s24, s18, $0xb8;
	[tilespmem:$0x1D000] =	vst v63  }
0x42: {  	p0 =	sne.s32 s23, $0x9C00;
	_ =	swait.ge [sflag:s19], $0x4000  }
.Ltmp1:
0x43: {  	[sflag:s19] =	ssyncset.done $0x0;
	(pc) =	sbr.rel @p0 .LBB2_4-.Ltmp1, $4  }
0x44: {  	s22 =	sadd.s32 $0x16800, s22;
	[sflag:s19] =	ssyncadd.s32 $0xFFFFC000  }
0x45: {  	[spmem:s2] =	stream.indirect.scatter.add.f32 [tilespmem:s14], [sflag:$0x2], $0x80, s22, s18, $0xb8;
	[tilespmem:$0x1D000] =	vst v63  }
0x46: {  	_ =	swait.ge [sflag:s15], $0x4000  }
0x47: {  	s23 =	smov.u32 s26;
	s22 =	sshra.s32 s25, $0x2;
	[sflag:s15] =	ssyncset.done $0x0  }
0x48: {  	s23 =	sadd.s32 $0x14000, s22;
	[sflag:s15] =	ssyncadd.s32 $0xFFFFC000  }
0x49: {  	[tilespmem:s14], [sflag:$0x1] =	stream.indirect.gather [hbm4b:s4+s18], $0x80, s23, s18, $0xb8;
	[tilespmem:$0x1D000] =	vst v63  }
0x4a: {  	_ =	swait.ge [sflag:s19], $0x4000  }
0x4b: {  	[sflag:s19] =	ssyncset.done $0x0  }
0x4c: {  	s30 =	sadd.s32 $0x16800, s22;
	[sflag:s19] =	ssyncadd.s32 $0xFFFFC000  }
0x4d: {  	[spmem:s2] =	stream.indirect.scatter.add.f32 [tilespmem:s14], [sflag:$0x2], $0x80, s30, s18, $0xb8;
	[tilespmem:$0x1D000] =	vst v63  }
0x4e: {  	_ =	swait.ge [sflag:s15], $0x4000  }
0x4f: {  	s21 =	sadd.s32 $0x1, s21;
	[sflag:s15] =	ssyncset.done $0x0  }
0x50: {  	p0 =	sne.s32 s21, s13;
	[sflag:s15] =	ssyncadd.s32 $0xFFFFC000  }
.Ltmp2:
0x51: {  	s31 =	sshrl.u32 s5, $0x3;
	[bflag:$0x0] =	sbarrier.arrive $0xFFFF;
	(pc) =	sbr.rel @p0 .LBB2_1-.Ltmp2, $4  }
0x52: {  	[hbm:s12], [sflag:s20] =	dma.local [spmem:s31], $0x2800  }
0x53: {  	_ =	swait.ge [sflag:s15], $0x2800  }
0x54: {  	[sflag:s15] =	ssyncset.done $0x0  }
0x55: {  	[sflag:s15] =	ssyncadd.s32 $0xFFFFD800  }
0x56: {  	_ =	sfence.sel $0x180000  }
0x57: {  	[bflag:$0x0] =	sbarrier.arrive $0xFFFF  }
0x58: {  	p0 =	sne.s32 s0, $0x0;
	_ =	strace $0x90000047  }
0x59: {  	s0 =	sadd.s32 @!p0 $0x100000, s1;
	[bflag:$0x2] =	sbarrier.arrive $0xFFFF  }
0x5a: {  	[sflag:s0] =	ssyncadd.tile.s32 @!p0 $0x1;
	_ =	shalt  }
.Lfunc_end2:
_tile_overlayer_lowered:
.L_overlay_start_2:
0x5b: {  	(tag) =	ssettag $0x2  }
0x5c: {  	s0 =	rddreg [dreg:$0x0];
	s2 =	stileid.u32  }
0x5d: {  	s1 =	rddreg [dreg:$0x1];
	p0 =	sne.s32 s2, $0x0  }
0x5e: {  	s3 =	rddreg [dreg:$0x2];
	[bflag:$0x3] =	sbarrier.arrive $0xFFFF;
	s2 =	simm.s32 @!p0 $0x1C02  }
0x5f: {  	[timem:s3], [sflag:s2] =	dma.local @!p0 [hbm:s0], s1  }
0x60: {  	s0 =	simm.s32 @!p0 $0x2  }
0x61: {  	_ =	swait.ge @!p0 [sflag:s0], s1  }
0x62: {  	s1 =	ssub.s32 @!p0 $0x0, s1;
	[sflag:s0] =	ssyncset.done @!p0 $0x0  }
0x63: {  	[sflag:s0] =	ssyncadd.s32 @!p0 s1  }
0x64: {  	[bflag:$0x3] =	sbarrier.arrive $0xFFFF  }
0x65: {  	_ =	shalt  }

</sc_bundles>
